<compile_context>
chip_gen: v7x
topology: tpu7x:2x2x1
jax: 0.10.2.dev20260603
libtpu: 0.0.44.dev20260713+nightly
codegen_flags: <defaults>
</compile_context>

<pallas_src>
import functools

import jax
import jax.numpy as jnp
from jax import lax
from jax.experimental import pallas as pl
from jax.experimental.pallas import tpu as pltpu
from jax.experimental.pallas import tpu_sc as plsc

NC = 2
NS = 16
NW = NC * NS
LANES = 128
NBUF = 4



def _k_body(T, ks_ref, table_ref, out_ref):
    idx = ks_ref[0, 0, :]
    rows = jax.lax.broadcasted_iota(jnp.int32, (T, idx.shape[0]), 0)
    onehot = jnp.where(rows == idx[None, :], 1.0, 0.0).astype(jnp.float32)
    out_ref[0] = jax.lax.dot_general(
        table_ref[...], onehot,
        dimension_numbers=(((1,), (0,)), ((), ())),
        precision=jax.lax.Precision.HIGHEST,
        preferred_element_type=jnp.float32)


@functools.cache
def _build_k(B, HIST, D, T):
    return pl.pallas_call(
        functools.partial(_k_body, T),
        grid=(HIST,),
        in_specs=[
            pl.BlockSpec((1, 1, B), lambda h: (h, 0, 0)),
            pl.BlockSpec((D, T), lambda h: (0, 0)),
        ],
        out_specs=pl.BlockSpec((1, D, B), lambda h: (h, 0, 0)),
        out_shape=jax.ShapeDtypeStruct((HIST, D, B), jnp.float32),
    )




@functools.cache
def _build_uij(B, D, NU, NJ):
    per_tile = B // NW
    tsu = (NU // LANES - 1) * LANES
    tsj = (NJ // LANES - 1) * LANES
    mesh = plsc.VectorSubcoreMesh(core_axis_name="c", subcore_axis_name="s")

    @functools.partial(
        pl.kernel,
        out_type=(
            jax.ShapeDtypeStruct((D, B), jnp.float32),
            jax.ShapeDtypeStruct((D, B), jnp.float32),
        ),
        mesh=mesh,
        compiler_params=pltpu.CompilerParams(needs_layout_passes=False),
        scratch_types=[
            pltpu.VMEM((per_tile + 16,), jnp.int32),
            pltpu.VMEM((per_tile + 16,), jnp.int32),
        ] + [pltpu.VMEM((D, LANES), jnp.float32)] * (2 * NBUF)
          + [pltpu.VMEM((D, per_tile), jnp.float32)] * 2
          + [pltpu.SemaphoreType.DMA] * (2 * NBUF),
    )
    def sc_kernel(i_hbm, j_hbm, user_t, item_t, tail_u, tail_j,
                  out_i, out_j, sm_i, sm_j, *rest):
        bufs_u = rest[0:NBUF]
        bufs_j = rest[NBUF:2 * NBUF]
        oblk_u, oblk_j = rest[2 * NBUF:2 * NBUF + 2]
        sems_u = rest[2 * NBUF + 2:3 * NBUF + 2]
        sems_j = rest[3 * NBUF + 2:4 * NBUF + 2]
        wid = lax.axis_index("s") * NC + lax.axis_index("c")
        base = pl.multiple_of(wid * per_tile, per_tile)
        row16 = [lax.broadcasted_iota(jnp.int32, (16,), 0) + 16 * r
                 for r in range(D // 16)]

        def make_ops(idx_sm, tab, tail, ts, out_ref, bufs, sems):
            def get(e):
                return idx_sm[pl.ds(e, 16)][0]

            def start(e, b):
                i = get(e)

                @pl.when(i < ts)
                def _():
                    c = pl.multiple_of((i >> 7) * LANES, LANES)
                    pltpu.make_async_copy(
                        tab.at[:, pl.ds(c, LANES)], bufs[b], sems[b]).start()

                @pl.when(i >= ts)
                def _():
                    c = pl.multiple_of(((i - ts) >> 7) * LANES, LANES)
                    pltpu.make_async_copy(
                        tail.at[:, pl.ds(c, LANES)], bufs[b], sems[b]).start()

            def finish(e, b):
                pltpu.make_async_copy(
                    tab.at[:, pl.ds(0, LANES)], bufs[b], sems[b]).wait()
                l16 = jnp.full((16,), get(e) & (LANES - 1), jnp.int32)
                e16 = jnp.full((16,), e, jnp.int32)
                for r in range(D // 16):
                    vals = plsc.load_gather(bufs[b], [row16[r], l16])
                    plsc.store_scatter(out_ref, [row16[r], e16], vals)

            return start, finish

        pltpu.sync_copy(i_hbm.at[pl.ds(base, per_tile)],
                        sm_i.at[pl.ds(0, per_tile)])
        pltpu.sync_copy(j_hbm.at[pl.ds(base, per_tile)],
                        sm_j.at[pl.ds(0, per_tile)])

        start_u, finish_u = make_ops(sm_i, user_t, tail_u, tsu, oblk_u,
                                     bufs_u, sems_u)
        start_j, finish_j = make_ops(sm_j, item_t, tail_j, tsj, oblk_j,
                                     bufs_j, sems_j)

        for b in range(NBUF):
            start_u(b, b)
            start_j(b, b)

        @pl.loop(0, per_tile - NBUF, step=NBUF)
        def _(e):
            for b in range(NBUF):
                finish_u(e + b, b)
                start_u(e + b + NBUF, b)
                finish_j(e + b, b)
                start_j(e + b + NBUF, b)

        for b in range(NBUF):
            finish_u(per_tile - NBUF + b, b)
            finish_j(per_tile - NBUF + b, b)

        pltpu.sync_copy(oblk_u, out_i.at[:, pl.ds(base, per_tile)])
        pltpu.sync_copy(oblk_j, out_j.at[:, pl.ds(base, per_tile)])

    return sc_kernel


def _tail(table_t, n):
    ts = (n // LANES - 1) * LANES
    return jnp.pad(table_t[:, ts:], ((0, 0), (0, 2 * LANES - (n - ts))))


def kernel(i_input, j_input, ks_input, user_embeddings, item_embeddings,
           time_embeddings):
    B, HIST = ks_input.shape
    D = user_embeddings.shape[1]
    T = time_embeddings.shape[0]
    NU = user_embeddings.shape[0]
    NJ = item_embeddings.shape[0]

    user_t = user_embeddings.T
    item_t = item_embeddings.T
    out_i_t, out_j_t = _build_uij(B, D, NU, NJ)(
        i_input.astype(jnp.int32), j_input.astype(jnp.int32),
        user_t, item_t, _tail(user_t, NU), _tail(item_t, NJ))

    ks_t = ks_input.astype(jnp.int32).T.reshape(HIST, 1, B)
    time_t = time_embeddings.T
    out_k_t = _build_k(B, HIST, D, T)(ks_t, time_t)
    out_k = jnp.transpose(out_k_t, (2, 0, 1))
    return (out_i_t.T, out_j_t.T, out_k)

# --- scband reference (transcript-rebuilt; emitter-appended) ---
"""Pipeline reference for scband-embedding-module-53669911331088 (READ-ONLY COPY).

The authoritative reference and input builder live on the scoring server;
editing this copy changes nothing except your own understanding.
"""

import jax, jax.numpy as jnp
import numpy as np

NUM_USER, NUM_ITEM, NUM_TIME, LATENT_DIM = 100000, 1000000, 200, 64
BATCH, HIST = 4096, 50

def _xavier_uniform(key, shape):
    fan_in, fan_out = shape[0], shape[1]
    bound = np.sqrt(6.0 / (fan_in + fan_out))
    return jax.random.uniform(key, shape, jnp.float32, -bound, bound)

def setup_inputs(seed: int = 0) -> dict:
    key = jax.random.key(seed)
    k1, k2, k3, k4, k5, k6 = jax.random.split(key, 6)
    user_embeddings = _xavier_uniform(k1, (NUM_USER, LATENT_DIM))
    item_embeddings = _xavier_uniform(k2, (NUM_ITEM, LATENT_DIM))
    time_embeddings = _xavier_uniform(k3, (NUM_TIME, LATENT_DIM))
    i_input = jax.random.randint(k4, (BATCH,), 0, NUM_USER, dtype=jnp.int64 if jax.config.jax_enable_x64 else jnp.int32)
    j_input = jax.random.randint(k5, (BATCH,), 0, NUM_ITEM, dtype=jnp.int64 if jax.config.jax_enable_x64 else jnp.int32)
    ks_input = jax.random.randint(k6, (BATCH, HIST), 0, NUM_TIME, dtype=jnp.int64 if jax.config.jax_enable_x64 else jnp.int32)
    return {
        "i_input": i_input,
        "j_input": j_input,
        "ks_input": ks_input,
        "user_embeddings": user_embeddings,
        "item_embeddings": item_embeddings,
        "time_embeddings": time_embeddings,
    }

def reference(i_input, j_input, ks_input, user_embeddings, item_embeddings, time_embeddings):
    i_embed = jnp.take(user_embeddings, i_input, axis=0)
    j_embed = jnp.take(item_embeddings, j_input, axis=0)
    k_embed_seq = jnp.take(time_embeddings, ks_input, axis=0)
    return (i_embed, j_embed, k_embed_seq)

if __name__ == "__main__":
    import jax
    _d = setup_inputs()
    print(jax.jit(kernel)(*tuple(_d.values())))

</pallas_src>

<mosaic_0001>
#map = affine_map<(d0, d1) -> (0)>
#map1 = affine_map<(d0, d1) -> (0, 0)>
module attributes {stable_mosaic.version = 14 : i64} {
  func.func @sc_kernel(%arg0: i32, %arg1: i32, %arg2: memref<4096xi32, #tpu.memory_space<hbm>>, %arg3: memref<4096xi32, #tpu.memory_space<hbm>>, %arg4: memref<64x100000xf32, #tpu.memory_space<hbm>>, %arg5: memref<64x1000000xf32, #tpu.memory_space<hbm>>, %arg6: memref<64x256xf32, #tpu.memory_space<hbm>>, %arg7: memref<64x256xf32, #tpu.memory_space<hbm>>, %arg8: memref<64x4096xf32, #tpu.memory_space<hbm>>, %arg9: memref<64x4096xf32, #tpu.memory_space<hbm>>, %arg10: memref<144xi32, #tpu.memory_space<vmem>>, %arg11: memref<144xi32, #tpu.memory_space<vmem>>, %arg12: memref<64x128xf32, #tpu.memory_space<vmem>>, %arg13: memref<64x128xf32, #tpu.memory_space<vmem>>, %arg14: memref<64x128xf32, #tpu.memory_space<vmem>>, %arg15: memref<64x128xf32, #tpu.memory_space<vmem>>, %arg16: memref<64x128xf32, #tpu.memory_space<vmem>>, %arg17: memref<64x128xf32, #tpu.memory_space<vmem>>, %arg18: memref<64x128xf32, #tpu.memory_space<vmem>>, %arg19: memref<64x128xf32, #tpu.memory_space<vmem>>, %arg20: memref<64x128xf32, #tpu.memory_space<vmem>>, %arg21: memref<64x128xf32, #tpu.memory_space<vmem>>, %arg22: memref<!tpu.dma_semaphore, #tpu.memory_space<semaphore_mem>>, %arg23: memref<!tpu.dma_semaphore, #tpu.memory_space<semaphore_mem>>, %arg24: memref<!tpu.dma_semaphore, #tpu.memory_space<semaphore_mem>>, %arg25: memref<!tpu.dma_semaphore, #tpu.memory_space<semaphore_mem>>, %arg26: memref<!tpu.dma_semaphore, #tpu.memory_space<semaphore_mem>>, %arg27: memref<!tpu.dma_semaphore, #tpu.memory_space<semaphore_mem>>, %arg28: memref<!tpu.dma_semaphore, #tpu.memory_space<semaphore_mem>>, %arg29: memref<!tpu.dma_semaphore, #tpu.memory_space<semaphore_mem>>) attributes {dimension_semantics = [#tpu.dimension_semantics<core_parallel>, #tpu.dimension_semantics<subcore_parallel>], iteration_bounds = array<i64: 2, 16>, scalar_prefetch = 0 : i64, scratch_operands = 20 : i64, tpu.core_type = #tpu.core_type<sc_vector_subcore>, window_params = [{transform_indices = #map}, {transform_indices = #map}, {transform_indices = #map1}, {transform_indices = #map1}, {transform_indices = #map1}, {transform_indices = #map1}, {transform_indices = #map1}, {transform_indices = #map1}]} {
    %mul3A = arith.constant 2 : i32
    %mul3A_0 = arith.muli %arg1, %mul3A : i32
    %add3A = arith.addi %mul3A_0, %arg0 : i32
    %mul3A_1 = arith.constant 128 : i32
    %mul3A_2 = arith.muli %add3A, %mul3A_1 : i32
    %multiple_of3A = tpu.assume_multiple %mul3A_2, 128 : i32
    %iota3A = tpu.iota {dimensions = array<i32: 0>} : vector<16xi32>
    %add3A_3 = arith.constant 0 : i32
    %add3A_4 = vector.broadcast %add3A_3 : i32 to vector<16xi32>
    %add3A_5 = arith.addi %iota3A, %add3A_4 : vector<16xi32>
    %iota3A_6 = tpu.iota {dimensions = array<i32: 0>} : vector<16xi32>
    %add3A_7 = arith.constant 16 : i32
    %add3A_8 = vector.broadcast %add3A_7 : i32 to vector<16xi32>
    %add3A_9 = arith.addi %iota3A_6, %add3A_8 : vector<16xi32>
    %iota3A_10 = tpu.iota {dimensions = array<i32: 0>} : vector<16xi32>
    %add3A_11 = arith.constant 32 : i32
    %add3A_12 = vector.broadcast %add3A_11 : i32 to vector<16xi32>
    %add3A_13 = arith.addi %iota3A_10, %add3A_12 : vector<16xi32>
    %iota3A_14 = tpu.iota {dimensions = array<i32: 0>} : vector<16xi32>
    %add3A_15 = arith.constant 48 : i32
    %add3A_16 = vector.broadcast %add3A_15 : i32 to vector<16xi32>
    %add3A_17 = arith.addi %iota3A_14, %add3A_16 : vector<16xi32>
    "tpu.region"() ({
      %run_scoped3A = tpu.sem_alloc : memref<!tpu.dma_semaphore, #tpu.memory_space<semaphore_mem>>
      %dma_start3A = arith.constant 0 : i32
      %dma_start3A_275 = tpu.memref_slice %arg10[%dma_start3A] : memref<144xi32, #tpu.memory_space<vmem>> -> memref<128xi32, #tpu.memory_space<vmem>>
      %dma_start3A_276 = tpu.memref_slice %arg2[%multiple_of3A] : memref<4096xi32, #tpu.memory_space<hbm>> -> memref<128xi32, #tpu.memory_space<hbm>>
      %dma_start3A_277 = arith.constant 0 : i32
      %dma_start3A_278 = tpu.memref_slice %arg10[%dma_start3A_277] : memref<144xi32, #tpu.memory_space<vmem>> -> memref<128xi32, #tpu.memory_space<vmem>>
      %dma_start3A_279 = tpu.memref_slice %arg2[%multiple_of3A] : memref<4096xi32, #tpu.memory_space<hbm>> -> memref<128xi32, #tpu.memory_space<hbm>>
      tpu.enqueue_dma source(%dma_start3A_279 : memref<128xi32, #tpu.memory_space<hbm>>) target(%dma_start3A_278 : memref<128xi32, #tpu.memory_space<vmem>>) target_semaphore(%run_scoped3A : memref<!tpu.dma_semaphore, #tpu.memory_space<semaphore_mem>>)
      %dma_wait3A_280 = arith.constant 0 : i32
      %dma_wait3A_281 = tpu.memref_slice %arg10[%dma_wait3A_280] : memref<144xi32, #tpu.memory_space<vmem>> -> memref<128xi32, #tpu.memory_space<vmem>>
      %dma_wait3A_282 = tpu.memref_slice %arg2[%multiple_of3A] : memref<4096xi32, #tpu.memory_space<hbm>> -> memref<128xi32, #tpu.memory_space<hbm>>
      %dma_wait3A_283 = arith.constant 0 : i32
      %dma_wait3A_284 = tpu.memref_slice %arg10[%dma_wait3A_283] : memref<144xi32, #tpu.memory_space<vmem>> -> memref<128xi32, #tpu.memory_space<vmem>>
      %dma_wait3A_285 = tpu.memref_slice %arg2[%multiple_of3A] : memref<4096xi32, #tpu.memory_space<hbm>> -> memref<128xi32, #tpu.memory_space<hbm>>
      tpu.wait_dma2 semaphore(%run_scoped3A : memref<!tpu.dma_semaphore, #tpu.memory_space<semaphore_mem>>) src(%dma_wait3A_285 : memref<128xi32, #tpu.memory_space<hbm>>) dst(%dma_wait3A_284 : memref<128xi32, #tpu.memory_space<vmem>>)
      tpu.yield
    }) : () -> ()
    "tpu.region"() ({
      %run_scoped3A = tpu.sem_alloc : memref<!tpu.dma_semaphore, #tpu.memory_space<semaphore_mem>>
      %dma_start3A = arith.constant 0 : i32
      %dma_start3A_275 = tpu.memref_slice %arg11[%dma_start3A] : memref<144xi32, #tpu.memory_space<vmem>> -> memref<128xi32, #tpu.memory_space<vmem>>
      %dma_start3A_276 = tpu.memref_slice %arg3[%multiple_of3A] : memref<4096xi32, #tpu.memory_space<hbm>> -> memref<128xi32, #tpu.memory_space<hbm>>
      %dma_start3A_277 = arith.constant 0 : i32
      %dma_start3A_278 = tpu.memref_slice %arg11[%dma_start3A_277] : memref<144xi32, #tpu.memory_space<vmem>> -> memref<128xi32, #tpu.memory_space<vmem>>
      %dma_start3A_279 = tpu.memref_slice %arg3[%multiple_of3A] : memref<4096xi32, #tpu.memory_space<hbm>> -> memref<128xi32, #tpu.memory_space<hbm>>
      tpu.enqueue_dma source(%dma_start3A_279 : memref<128xi32, #tpu.memory_space<hbm>>) target(%dma_start3A_278 : memref<128xi32, #tpu.memory_space<vmem>>) target_semaphore(%run_scoped3A : memref<!tpu.dma_semaphore, #tpu.memory_space<semaphore_mem>>)
      %dma_wait3A_280 = arith.constant 0 : i32
      %dma_wait3A_281 = tpu.memref_slice %arg11[%dma_wait3A_280] : memref<144xi32, #tpu.memory_space<vmem>> -> memref<128xi32, #tpu.memory_space<vmem>>
      %dma_wait3A_282 = tpu.memref_slice %arg3[%multiple_of3A] : memref<4096xi32, #tpu.memory_space<hbm>> -> memref<128xi32, #tpu.memory_space<hbm>>
      %dma_wait3A_283 = arith.constant 0 : i32
      %dma_wait3A_284 = tpu.memref_slice %arg11[%dma_wait3A_283] : memref<144xi32, #tpu.memory_space<vmem>> -> memref<128xi32, #tpu.memory_space<vmem>>
      %dma_wait3A_285 = tpu.memref_slice %arg3[%multiple_of3A] : memref<4096xi32, #tpu.memory_space<hbm>> -> memref<128xi32, #tpu.memory_space<hbm>>
      tpu.wait_dma2 semaphore(%run_scoped3A : memref<!tpu.dma_semaphore, #tpu.memory_space<semaphore_mem>>) src(%dma_wait3A_285 : memref<128xi32, #tpu.memory_space<hbm>>) dst(%dma_wait3A_284 : memref<128xi32, #tpu.memory_space<vmem>>)
      tpu.yield
    }) : () -> ()
    %get3A = arith.constant 0 : index
    %get3A_18 = tpu.vector_load %arg10[%get3A] {strides = array<i32>} : memref<144xi32, #tpu.memory_space<vmem>>, vector<16xi32>,
    %slice3A = vector.extract_strided_slice %get3A_18 {offsets = [0], sizes = [1], strides = [1]} : vector<16xi32> to vector<1xi32>
    %squeeze3A = vector.extract %slice3A[0] : i32 from vector<1xi32>
    %lt3A = arith.constant 99840 : i32
    %lt3A_19 = arith.cmpi slt, %squeeze3A, %lt3A : i32
    %convert_element_type3A = arith.extui %lt3A_19 : i1 to i32
    %cond3A = arith.constant 0 : i32
    %cond3A_20 = arith.cmpi ne, %convert_element_type3A, %cond3A : i32
    scf.if %cond3A_20 {
      %shift_right_arithmetic3A = arith.constant 7 : i32
      %shift_right_arithmetic3A_275 = arith.shrsi %squeeze3A, %shift_right_arithmetic3A : i32
      %mul3A_276 = arith.constant 128 : i32
      %mul3A_277 = arith.muli %shift_right_arithmetic3A_275, %mul3A_276 : i32
      %multiple_of3A_278 = tpu.assume_multiple %mul3A_277, 128 : i32
      %dma_start3A = arith.constant 0 : i32
      %dma_start3A_279 = tpu.memref_slice %arg4[%dma_start3A, %multiple_of3A_278] : memref<64x100000xf32, #tpu.memory_space<hbm>> -> memref<64x128xf32, #tpu.memory_space<hbm>>
      %dma_start3A_280 = arith.constant 0 : i32
      %dma_start3A_281 = tpu.memref_slice %arg4[%dma_start3A_280, %multiple_of3A_278] : memref<64x100000xf32, #tpu.memory_space<hbm>> -> memref<64x128xf32, #tpu.memory_space<hbm>>
      tpu.enqueue_dma source(%dma_start3A_281 : memref<64x128xf32, #tpu.memory_space<hbm>>) target(%arg12 : memref<64x128xf32, #tpu.memory_space<vmem>>) target_semaphore(%arg22 : memref<!tpu.dma_semaphore, #tpu.memory_space<semaphore_mem>>)
    } else {
    }
    %ge3A = arith.constant 99840 : i32
    %ge3A_21 = arith.cmpi sge, %squeeze3A, %ge3A : i32
    %convert_element_type3A_22 = arith.extui %ge3A_21 : i1 to i32
    %cond3A_23 = arith.constant 0 : i32
    %cond3A_24 = arith.cmpi ne, %convert_element_type3A_22, %cond3A_23 : i32
    scf.if %cond3A_24 {
      %sub3A = arith.constant 99840 : i32
      %sub3A_275 = arith.subi %squeeze3A, %sub3A : i32
      %shift_right_arithmetic3A = arith.constant 7 : i32
      %shift_right_arithmetic3A_276 = arith.shrsi %sub3A_275, %shift_right_arithmetic3A : i32
      %mul3A_277 = arith.constant 128 : i32
      %mul3A_278 = arith.muli %shift_right_arithmetic3A_276, %mul3A_277 : i32
      %multiple_of3A_279 = tpu.assume_multiple %mul3A_278, 128 : i32
      %dma_start3A = arith.constant 0 : i32
      %dma_start3A_280 = tpu.memref_slice %arg6[%dma_start3A, %multiple_of3A_279] : memref<64x256xf32, #tpu.memory_space<hbm>> -> memref<64x128xf32, #tpu.memory_space<hbm>>
      %dma_start3A_281 = arith.constant 0 : i32
      %dma_start3A_282 = tpu.memref_slice %arg6[%dma_start3A_281, %multiple_of3A_279] : memref<64x256xf32, #tpu.memory_space<hbm>> -> memref<64x128xf32, #tpu.memory_space<hbm>>
      tpu.enqueue_dma source(%dma_start3A_282 : memref<64x128xf32, #tpu.memory_space<hbm>>) target(%arg12 : memref<64x128xf32, #tpu.memory_space<vmem>>) target_semaphore(%arg22 : memref<!tpu.dma_semaphore, #tpu.memory_space<semaphore_mem>>)
    } else {
    }
    %get3A_25 = arith.constant 0 : index
    %get3A_26 = tpu.vector_load %arg11[%get3A_25] {strides = array<i32>} : memref<144xi32, #tpu.memory_space<vmem>>, vector<16xi32>,
    %slice3A_27 = vector.extract_strided_slice %get3A_26 {offsets = [0], sizes = [1], strides = [1]} : vector<16xi32> to vector<1xi32>
    %squeeze3A_28 = vector.extract %slice3A_27[0] : i32 from vector<1xi32>
    %lt3A_29 = arith.constant 999808 : i32
    %lt3A_30 = arith.cmpi slt, %squeeze3A_28, %lt3A_29 : i32
    %convert_element_type3A_31 = arith.extui %lt3A_30 : i1 to i32
    %cond3A_32 = arith.constant 0 : i32
    %cond3A_33 = arith.cmpi ne, %convert_element_type3A_31, %cond3A_32 : i32
    scf.if %cond3A_33 {
      %shift_right_arithmetic3A = arith.constant 7 : i32
      %shift_right_arithmetic3A_275 = arith.shrsi %squeeze3A_28, %shift_right_arithmetic3A : i32
      %mul3A_276 = arith.constant 128 : i32
      %mul3A_277 = arith.muli %shift_right_arithmetic3A_275, %mul3A_276 : i32
      %multiple_of3A_278 = tpu.assume_multiple %mul3A_277, 128 : i32
      %dma_start3A = arith.constant 0 : i32
      %dma_start3A_279 = tpu.memref_slice %arg5[%dma_start3A, %multiple_of3A_278] : memref<64x1000000xf32, #tpu.memory_space<hbm>> -> memref<64x128xf32, #tpu.memory_space<hbm>>
      %dma_start3A_280 = arith.constant 0 : i32
      %dma_start3A_281 = tpu.memref_slice %arg5[%dma_start3A_280, %multiple_of3A_278] : memref<64x1000000xf32, #tpu.memory_space<hbm>> -> memref<64x128xf32, #tpu.memory_space<hbm>>
      tpu.enqueue_dma source(%dma_start3A_281 : memref<64x128xf32, #tpu.memory_space<hbm>>) target(%arg16 : memref<64x128xf32, #tpu.memory_space<vmem>>) target_semaphore(%arg26 : memref<!tpu.dma_semaphore, #tpu.memory_space<semaphore_mem>>)
    } else {
    }
    %ge3A_34 = arith.constant 999808 : i32
    %ge3A_35 = arith.cmpi sge, %squeeze3A_28, %ge3A_34 : i32
    %convert_element_type3A_36 = arith.extui %ge3A_35 : i1 to i32
    %cond3A_37 = arith.constant 0 : i32
    %cond3A_38 = arith.cmpi ne, %convert_element_type3A_36, %cond3A_37 : i32
    scf.if %cond3A_38 {
      %sub3A = arith.constant 999808 : i32
      %sub3A_275 = arith.subi %squeeze3A_28, %sub3A : i32
      %shift_right_arithmetic3A = arith.constant 7 : i32
      %shift_right_arithmetic3A_276 = arith.shrsi %sub3A_275, %shift_right_arithmetic3A : i32
      %mul3A_277 = arith.constant 128 : i32
      %mul3A_278 = arith.muli %shift_right_arithmetic3A_276, %mul3A_277 : i32
      %multiple_of3A_279 = tpu.assume_multiple %mul3A_278, 128 : i32
      %dma_start3A = arith.constant 0 : i32
      %dma_start3A_280 = tpu.memref_slice %arg7[%dma_start3A, %multiple_of3A_279] : memref<64x256xf32, #tpu.memory_space<hbm>> -> memref<64x128xf32, #tpu.memory_space<hbm>>
      %dma_start3A_281 = arith.constant 0 : i32
      %dma_start3A_282 = tpu.memref_slice %arg7[%dma_start3A_281, %multiple_of3A_279] : memref<64x256xf32, #tpu.memory_space<hbm>> -> memref<64x128xf32, #tpu.memory_space<hbm>>
      tpu.enqueue_dma source(%dma_start3A_282 : memref<64x128xf32, #tpu.memory_space<hbm>>) target(%arg16 : memref<64x128xf32, #tpu.memory_space<vmem>>) target_semaphore(%arg26 : memref<!tpu.dma_semaphore, #tpu.memory_space<semaphore_mem>>)
    } else {
    }
    %get3A_39 = arith.constant 1 : index
    %get3A_40 = tpu.vector_load %arg10[%get3A_39] {strides = array<i32>} : memref<144xi32, #tpu.memory_space<vmem>>, vector<16xi32>,
    %slice3A_41 = vector.extract_strided_slice %get3A_40 {offsets = [0], sizes = [1], strides = [1]} : vector<16xi32> to vector<1xi32>
    %squeeze3A_42 = vector.extract %slice3A_41[0] : i32 from vector<1xi32>
    %lt3A_43 = arith.constant 99840 : i32
    %lt3A_44 = arith.cmpi slt, %squeeze3A_42, %lt3A_43 : i32
    %convert_element_type3A_45 = arith.extui %lt3A_44 : i1 to i32
    %cond3A_46 = arith.constant 0 : i32
    %cond3A_47 = arith.cmpi ne, %convert_element_type3A_45, %cond3A_46 : i32
    scf.if %cond3A_47 {
      %shift_right_arithmetic3A = arith.constant 7 : i32
      %shift_right_arithmetic3A_275 = arith.shrsi %squeeze3A_42, %shift_right_arithmetic3A : i32
      %mul3A_276 = arith.constant 128 : i32
      %mul3A_277 = arith.muli %shift_right_arithmetic3A_275, %mul3A_276 : i32
      %multiple_of3A_278 = tpu.assume_multiple %mul3A_277, 128 : i32
      %dma_start3A = arith.constant 0 : i32
      %dma_start3A_279 = tpu.memref_slice %arg4[%dma_start3A, %multiple_of3A_278] : memref<64x100000xf32, #tpu.memory_space<hbm>> -> memref<64x128xf32, #tpu.memory_space<hbm>>
      %dma_start3A_280 = arith.constant 0 : i32
      %dma_start3A_281 = tpu.memref_slice %arg4[%dma_start3A_280, %multiple_of3A_278] : memref<64x100000xf32, #tpu.memory_space<hbm>> -> memref<64x128xf32, #tpu.memory_space<hbm>>
      tpu.enqueue_dma source(%dma_start3A_281 : memref<64x128xf32, #tpu.memory_space<hbm>>) target(%arg13 : memref<64x128xf32, #tpu.memory_space<vmem>>) target_semaphore(%arg23 : memref<!tpu.dma_semaphore, #tpu.memory_space<semaphore_mem>>)
    } else {
    }
    %ge3A_48 = arith.constant 99840 : i32
    %ge3A_49 = arith.cmpi sge, %squeeze3A_42, %ge3A_48 : i32
    %convert_element_type3A_50 = arith.extui %ge3A_49 : i1 to i32
    %cond3A_51 = arith.constant 0 : i32
    %cond3A_52 = arith.cmpi ne, %convert_element_type3A_50, %cond3A_51 : i32
    scf.if %cond3A_52 {
      %sub3A = arith.constant 99840 : i32
      %sub3A_275 = arith.subi %squeeze3A_42, %sub3A : i32
      %shift_right_arithmetic3A = arith.constant 7 : i32
      %shift_right_arithmetic3A_276 = arith.shrsi %sub3A_275, %shift_right_arithmetic3A : i32
      %mul3A_277 = arith.constant 128 : i32
      %mul3A_278 = arith.muli %shift_right_arithmetic3A_276, %mul3A_277 : i32
      %multiple_of3A_279 = tpu.assume_multiple %mul3A_278, 128 : i32
      %dma_start3A = arith.constant 0 : i32
      %dma_start3A_280 = tpu.memref_slice %arg6[%dma_start3A, %multiple_of3A_279] : memref<64x256xf32, #tpu.memory_space<hbm>> -> memref<64x128xf32, #tpu.memory_space<hbm>>
      %dma_start3A_281 = arith.constant 0 : i32
      %dma_start3A_282 = tpu.memref_slice %arg6[%dma_start3A_281, %multiple_of3A_279] : memref<64x256xf32, #tpu.memory_space<hbm>> -> memref<64x128xf32, #tpu.memory_space<hbm>>
      tpu.enqueue_dma source(%dma_start3A_282 : memref<64x128xf32, #tpu.memory_space<hbm>>) target(%arg13 : memref<64x128xf32, #tpu.memory_space<vmem>>) target_semaphore(%arg23 : memref<!tpu.dma_semaphore, #tpu.memory_space<semaphore_mem>>)
    } else {
    }
    %get3A_53 = arith.constant 1 : index
    %get3A_54 = tpu.vector_load %arg11[%get3A_53] {strides = array<i32>} : memref<144xi32, #tpu.memory_space<vmem>>, vector<16xi32>,
    %slice3A_55 = vector.extract_strided_slice %get3A_54 {offsets = [0], sizes = [1], strides = [1]} : vector<16xi32> to vector<1xi32>
    %squeeze3A_56 = vector.extract %slice3A_55[0] : i32 from vector<1xi32>
    %lt3A_57 = arith.constant 999808 : i32
    %lt3A_58 = arith.cmpi slt, %squeeze3A_56, %lt3A_57 : i32
    %convert_element_type3A_59 = arith.extui %lt3A_58 : i1 to i32
    %cond3A_60 = arith.constant 0 : i32
    %cond3A_61 = arith.cmpi ne, %convert_element_type3A_59, %cond3A_60 : i32
    scf.if %cond3A_61 {
      %shift_right_arithmetic3A = arith.constant 7 : i32
      %shift_right_arithmetic3A_275 = arith.shrsi %squeeze3A_56, %shift_right_arithmetic3A : i32
      %mul3A_276 = arith.constant 128 : i32
      %mul3A_277 = arith.muli %shift_right_arithmetic3A_275, %mul3A_276 : i32
      %multiple_of3A_278 = tpu.assume_multiple %mul3A_277, 128 : i32
      %dma_start3A = arith.constant 0 : i32
      %dma_start3A_279 = tpu.memref_slice %arg5[%dma_start3A, %multiple_of3A_278] : memref<64x1000000xf32, #tpu.memory_space<hbm>> -> memref<64x128xf32, #tpu.memory_space<hbm>>
      %dma_start3A_280 = arith.constant 0 : i32
      %dma_start3A_281 = tpu.memref_slice %arg5[%dma_start3A_280, %multiple_of3A_278] : memref<64x1000000xf32, #tpu.memory_space<hbm>> -> memref<64x128xf32, #tpu.memory_space<hbm>>
      tpu.enqueue_dma source(%dma_start3A_281 : memref<64x128xf32, #tpu.memory_space<hbm>>) target(%arg17 : memref<64x128xf32, #tpu.memory_space<vmem>>) target_semaphore(%arg27 : memref<!tpu.dma_semaphore, #tpu.memory_space<semaphore_mem>>)
    } else {
    }
    %ge3A_62 = arith.constant 999808 : i32
    %ge3A_63 = arith.cmpi sge, %squeeze3A_56, %ge3A_62 : i32
    %convert_element_type3A_64 = arith.extui %ge3A_63 : i1 to i32
    %cond3A_65 = arith.constant 0 : i32
    %cond3A_66 = arith.cmpi ne, %convert_element_type3A_64, %cond3A_65 : i32
    scf.if %cond3A_66 {
      %sub3A = arith.constant 999808 : i32
      %sub3A_275 = arith.subi %squeeze3A_56, %sub3A : i32
      %shift_right_arithmetic3A = arith.constant 7 : i32
      %shift_right_arithmetic3A_276 = arith.shrsi %sub3A_275, %shift_right_arithmetic3A : i32
      %mul3A_277 = arith.constant 128 : i32
      %mul3A_278 = arith.muli %shift_right_arithmetic3A_276, %mul3A_277 : i32
      %multiple_of3A_279 = tpu.assume_multiple %mul3A_278, 128 : i32
      %dma_start3A = arith.constant 0 : i32
      %dma_start3A_280 = tpu.memref_slice %arg7[%dma_start3A, %multiple_of3A_279] : memref<64x256xf32, #tpu.memory_space<hbm>> -> memref<64x128xf32, #tpu.memory_space<hbm>>
      %dma_start3A_281 = arith.constant 0 : i32
      %dma_start3A_282 = tpu.memref_slice %arg7[%dma_start3A_281, %multiple_of3A_279] : memref<64x256xf32, #tpu.memory_space<hbm>> -> memref<64x128xf32, #tpu.memory_space<hbm>>
      tpu.enqueue_dma source(%dma_start3A_282 : memref<64x128xf32, #tpu.memory_space<hbm>>) target(%arg17 : memref<64x128xf32, #tpu.memory_space<vmem>>) target_semaphore(%arg27 : memref<!tpu.dma_semaphore, #tpu.memory_space<semaphore_mem>>)
    } else {
    }
    %get3A_67 = arith.constant 2 : index
    %get3A_68 = tpu.vector_load %arg10[%get3A_67] {strides = array<i32>} : memref<144xi32, #tpu.memory_space<vmem>>, vector<16xi32>,
    %slice3A_69 = vector.extract_strided_slice %get3A_68 {offsets = [0], sizes = [1], strides = [1]} : vector<16xi32> to vector<1xi32>
    %squeeze3A_70 = vector.extract %slice3A_69[0] : i32 from vector<1xi32>
    %lt3A_71 = arith.constant 99840 : i32
    %lt3A_72 = arith.cmpi slt, %squeeze3A_70, %lt3A_71 : i32
    %convert_element_type3A_73 = arith.extui %lt3A_72 : i1 to i32
    %cond3A_74 = arith.constant 0 : i32
    %cond3A_75 = arith.cmpi ne, %convert_element_type3A_73, %cond3A_74 : i32
    scf.if %cond3A_75 {
      %shift_right_arithmetic3A = arith.constant 7 : i32
      %shift_right_arithmetic3A_275 = arith.shrsi %squeeze3A_70, %shift_right_arithmetic3A : i32
      %mul3A_276 = arith.constant 128 : i32
      %mul3A_277 = arith.muli %shift_right_arithmetic3A_275, %mul3A_276 : i32
      %multiple_of3A_278 = tpu.assume_multiple %mul3A_277, 128 : i32
      %dma_start3A = arith.constant 0 : i32
      %dma_start3A_279 = tpu.memref_slice %arg4[%dma_start3A, %multiple_of3A_278] : memref<64x100000xf32, #tpu.memory_space<hbm>> -> memref<64x128xf32, #tpu.memory_space<hbm>>
      %dma_start3A_280 = arith.constant 0 : i32
      %dma_start3A_281 = tpu.memref_slice %arg4[%dma_start3A_280, %multiple_of3A_278] : memref<64x100000xf32, #tpu.memory_space<hbm>> -> memref<64x128xf32, #tpu.memory_space<hbm>>
      tpu.enqueue_dma source(%dma_start3A_281 : memref<64x128xf32, #tpu.memory_space<hbm>>) target(%arg14 : memref<64x128xf32, #tpu.memory_space<vmem>>) target_semaphore(%arg24 : memref<!tpu.dma_semaphore, #tpu.memory_space<semaphore_mem>>)
    } else {
    }
    %ge3A_76 = arith.constant 99840 : i32
    %ge3A_77 = arith.cmpi sge, %squeeze3A_70, %ge3A_76 : i32
    %convert_element_type3A_78 = arith.extui %ge3A_77 : i1 to i32
    %cond3A_79 = arith.constant 0 : i32
    %cond3A_80 = arith.cmpi ne, %convert_element_type3A_78, %cond3A_79 : i32
    scf.if %cond3A_80 {
      %sub3A = arith.constant 99840 : i32
      %sub3A_275 = arith.subi %squeeze3A_70, %sub3A : i32
      %shift_right_arithmetic3A = arith.constant 7 : i32
      %shift_right_arithmetic3A_276 = arith.shrsi %sub3A_275, %shift_right_arithmetic3A : i32
      %mul3A_277 = arith.constant 128 : i32
      %mul3A_278 = arith.muli %shift_right_arithmetic3A_276, %mul3A_277 : i32
      %multiple_of3A_279 = tpu.assume_multiple %mul3A_278, 128 : i32
      %dma_start3A = arith.constant 0 : i32
      %dma_start3A_280 = tpu.memref_slice %arg6[%dma_start3A, %multiple_of3A_279] : memref<64x256xf32, #tpu.memory_space<hbm>> -> memref<64x128xf32, #tpu.memory_space<hbm>>
      %dma_start3A_281 = arith.constant 0 : i32
      %dma_start3A_282 = tpu.memref_slice %arg6[%dma_start3A_281, %multiple_of3A_279] : memref<64x256xf32, #tpu.memory_space<hbm>> -> memref<64x128xf32, #tpu.memory_space<hbm>>
      tpu.enqueue_dma source(%dma_start3A_282 : memref<64x128xf32, #tpu.memory_space<hbm>>) target(%arg14 : memref<64x128xf32, #tpu.memory_space<vmem>>) target_semaphore(%arg24 : memref<!tpu.dma_semaphore, #tpu.memory_space<semaphore_mem>>)
    } else {
    }
    %get3A_81 = arith.constant 2 : index
    %get3A_82 = tpu.vector_load %arg11[%get3A_81] {strides = array<i32>} : memref<144xi32, #tpu.memory_space<vmem>>, vector<16xi32>,
    %slice3A_83 = vector.extract_strided_slice %get3A_82 {offsets = [0], sizes = [1], strides = [1]} : vector<16xi32> to vector<1xi32>
    %squeeze3A_84 = vector.extract %slice3A_83[0] : i32 from vector<1xi32>
    %lt3A_85 = arith.constant 999808 : i32
    %lt3A_86 = arith.cmpi slt, %squeeze3A_84, %lt3A_85 : i32
    %convert_element_type3A_87 = arith.extui %lt3A_86 : i1 to i32
    %cond3A_88 = arith.constant 0 : i32
    %cond3A_89 = arith.cmpi ne, %convert_element_type3A_87, %cond3A_88 : i32
    scf.if %cond3A_89 {
      %shift_right_arithmetic3A = arith.constant 7 : i32
      %shift_right_arithmetic3A_275 = arith.shrsi %squeeze3A_84, %shift_right_arithmetic3A : i32
      %mul3A_276 = arith.constant 128 : i32
      %mul3A_277 = arith.muli %shift_right_arithmetic3A_275, %mul3A_276 : i32
      %multiple_of3A_278 = tpu.assume_multiple %mul3A_277, 128 : i32
      %dma_start3A = arith.constant 0 : i32
      %dma_start3A_279 = tpu.memref_slice %arg5[%dma_start3A, %multiple_of3A_278] : memref<64x1000000xf32, #tpu.memory_space<hbm>> -> memref<64x128xf32, #tpu.memory_space<hbm>>
      %dma_start3A_280 = arith.constant 0 : i32
      %dma_start3A_281 = tpu.memref_slice %arg5[%dma_start3A_280, %multiple_of3A_278] : memref<64x1000000xf32, #tpu.memory_space<hbm>> -> memref<64x128xf32, #tpu.memory_space<hbm>>
      tpu.enqueue_dma source(%dma_start3A_281 : memref<64x128xf32, #tpu.memory_space<hbm>>) target(%arg18 : memref<64x128xf32, #tpu.memory_space<vmem>>) target_semaphore(%arg28 : memref<!tpu.dma_semaphore, #tpu.memory_space<semaphore_mem>>)
    } else {
    }
    %ge3A_90 = arith.constant 999808 : i32
    %ge3A_91 = arith.cmpi sge, %squeeze3A_84, %ge3A_90 : i32
    %convert_element_type3A_92 = arith.extui %ge3A_91 : i1 to i32
    %cond3A_93 = arith.constant 0 : i32
    %cond3A_94 = arith.cmpi ne, %convert_element_type3A_92, %cond3A_93 : i32
    scf.if %cond3A_94 {
      %sub3A = arith.constant 999808 : i32
      %sub3A_275 = arith.subi %squeeze3A_84, %sub3A : i32
      %shift_right_arithmetic3A = arith.constant 7 : i32
      %shift_right_arithmetic3A_276 = arith.shrsi %sub3A_275, %shift_right_arithmetic3A : i32
      %mul3A_277 = arith.constant 128 : i32
      %mul3A_278 = arith.muli %shift_right_arithmetic3A_276, %mul3A_277 : i32
      %multiple_of3A_279 = tpu.assume_multiple %mul3A_278, 128 : i32
      %dma_start3A = arith.constant 0 : i32
      %dma_start3A_280 = tpu.memref_slice %arg7[%dma_start3A, %multiple_of3A_279] : memref<64x256xf32, #tpu.memory_space<hbm>> -> memref<64x128xf32, #tpu.memory_space<hbm>>
      %dma_start3A_281 = arith.constant 0 : i32
      %dma_start3A_282 = tpu.memref_slice %arg7[%dma_start3A_281, %multiple_of3A_279] : memref<64x256xf32, #tpu.memory_space<hbm>> -> memref<64x128xf32, #tpu.memory_space<hbm>>
      tpu.enqueue_dma source(%dma_start3A_282 : memref<64x128xf32, #tpu.memory_space<hbm>>) target(%arg18 : memref<64x128xf32, #tpu.memory_space<vmem>>) target_semaphore(%arg28 : memref<!tpu.dma_semaphore, #tpu.memory_space<semaphore_mem>>)
    } else {
    }
    %get3A_95 = arith.constant 3 : index
    %get3A_96 = tpu.vector_load %arg10[%get3A_95] {strides = array<i32>} : memref<144xi32, #tpu.memory_space<vmem>>, vector<16xi32>,
    %slice3A_97 = vector.extract_strided_slice %get3A_96 {offsets = [0], sizes = [1], strides = [1]} : vector<16xi32> to vector<1xi32>
    %squeeze3A_98 = vector.extract %slice3A_97[0] : i32 from vector<1xi32>
    %lt3A_99 = arith.constant 99840 : i32
    %lt3A_100 = arith.cmpi slt, %squeeze3A_98, %lt3A_99 : i32
    %convert_element_type3A_101 = arith.extui %lt3A_100 : i1 to i32
    %cond3A_102 = arith.constant 0 : i32
    %cond3A_103 = arith.cmpi ne, %convert_element_type3A_101, %cond3A_102 : i32
    scf.if %cond3A_103 {
      %shift_right_arithmetic3A = arith.constant 7 : i32
      %shift_right_arithmetic3A_275 = arith.shrsi %squeeze3A_98, %shift_right_arithmetic3A : i32
      %mul3A_276 = arith.constant 128 : i32
      %mul3A_277 = arith.muli %shift_right_arithmetic3A_275, %mul3A_276 : i32
      %multiple_of3A_278 = tpu.assume_multiple %mul3A_277, 128 : i32
      %dma_start3A = arith.constant 0 : i32
      %dma_start3A_279 = tpu.memref_slice %arg4[%dma_start3A, %multiple_of3A_278] : memref<64x100000xf32, #tpu.memory_space<hbm>> -> memref<64x128xf32, #tpu.memory_space<hbm>>
      %dma_start3A_280 = arith.constant 0 : i32
      %dma_start3A_281 = tpu.memref_slice %arg4[%dma_start3A_280, %multiple_of3A_278] : memref<64x100000xf32, #tpu.memory_space<hbm>> -> memref<64x128xf32, #tpu.memory_space<hbm>>
      tpu.enqueue_dma source(%dma_start3A_281 : memref<64x128xf32, #tpu.memory_space<hbm>>) target(%arg15 : memref<64x128xf32, #tpu.memory_space<vmem>>) target_semaphore(%arg25 : memref<!tpu.dma_semaphore, #tpu.memory_space<semaphore_mem>>)
    } else {
    }
    %ge3A_104 = arith.constant 99840 : i32
    %ge3A_105 = arith.cmpi sge, %squeeze3A_98, %ge3A_104 : i32
    %convert_element_type3A_106 = arith.extui %ge3A_105 : i1 to i32
    %cond3A_107 = arith.constant 0 : i32
    %cond3A_108 = arith.cmpi ne, %convert_element_type3A_106, %cond3A_107 : i32
    scf.if %cond3A_108 {
      %sub3A = arith.constant 99840 : i32
      %sub3A_275 = arith.subi %squeeze3A_98, %sub3A : i32
      %shift_right_arithmetic3A = arith.constant 7 : i32
      %shift_right_arithmetic3A_276 = arith.shrsi %sub3A_275, %shift_right_arithmetic3A : i32
      %mul3A_277 = arith.constant 128 : i32
      %mul3A_278 = arith.muli %shift_right_arithmetic3A_276, %mul3A_277 : i32
      %multiple_of3A_279 = tpu.assume_multiple %mul3A_278, 128 : i32
      %dma_start3A = arith.constant 0 : i32
      %dma_start3A_280 = tpu.memref_slice %arg6[%dma_start3A, %multiple_of3A_279] : memref<64x256xf32, #tpu.memory_space<hbm>> -> memref<64x128xf32, #tpu.memory_space<hbm>>
      %dma_start3A_281 = arith.constant 0 : i32
      %dma_start3A_282 = tpu.memref_slice %arg6[%dma_start3A_281, %multiple_of3A_279] : memref<64x256xf32, #tpu.memory_space<hbm>> -> memref<64x128xf32, #tpu.memory_space<hbm>>
      tpu.enqueue_dma source(%dma_start3A_282 : memref<64x128xf32, #tpu.memory_space<hbm>>) target(%arg15 : memref<64x128xf32, #tpu.memory_space<vmem>>) target_semaphore(%arg25 : memref<!tpu.dma_semaphore, #tpu.memory_space<semaphore_mem>>)
    } else {
    }
    %get3A_109 = arith.constant 3 : index
    %get3A_110 = tpu.vector_load %arg11[%get3A_109] {strides = array<i32>} : memref<144xi32, #tpu.memory_space<vmem>>, vector<16xi32>,
    %slice3A_111 = vector.extract_strided_slice %get3A_110 {offsets = [0], sizes = [1], strides = [1]} : vector<16xi32> to vector<1xi32>
    %squeeze3A_112 = vector.extract %slice3A_111[0] : i32 from vector<1xi32>
    %lt3A_113 = arith.constant 999808 : i32
    %lt3A_114 = arith.cmpi slt, %squeeze3A_112, %lt3A_113 : i32
    %convert_element_type3A_115 = arith.extui %lt3A_114 : i1 to i32
    %cond3A_116 = arith.constant 0 : i32
    %cond3A_117 = arith.cmpi ne, %convert_element_type3A_115, %cond3A_116 : i32
    scf.if %cond3A_117 {
      %shift_right_arithmetic3A = arith.constant 7 : i32
      %shift_right_arithmetic3A_275 = arith.shrsi %squeeze3A_112, %shift_right_arithmetic3A : i32
      %mul3A_276 = arith.constant 128 : i32
      %mul3A_277 = arith.muli %shift_right_arithmetic3A_275, %mul3A_276 : i32
      %multiple_of3A_278 = tpu.assume_multiple %mul3A_277, 128 : i32
      %dma_start3A = arith.constant 0 : i32
      %dma_start3A_279 = tpu.memref_slice %arg5[%dma_start3A, %multiple_of3A_278] : memref<64x1000000xf32, #tpu.memory_space<hbm>> -> memref<64x128xf32, #tpu.memory_space<hbm>>
      %dma_start3A_280 = arith.constant 0 : i32
      %dma_start3A_281 = tpu.memref_slice %arg5[%dma_start3A_280, %multiple_of3A_278] : memref<64x1000000xf32, #tpu.memory_space<hbm>> -> memref<64x128xf32, #tpu.memory_space<hbm>>
      tpu.enqueue_dma source(%dma_start3A_281 : memref<64x128xf32, #tpu.memory_space<hbm>>) target(%arg19 : memref<64x128xf32, #tpu.memory_space<vmem>>) target_semaphore(%arg29 : memref<!tpu.dma_semaphore, #tpu.memory_space<semaphore_mem>>)
    } else {
    }
    %ge3A_118 = arith.constant 999808 : i32
    %ge3A_119 = arith.cmpi sge, %squeeze3A_112, %ge3A_118 : i32
    %convert_element_type3A_120 = arith.extui %ge3A_119 : i1 to i32
    %cond3A_121 = arith.constant 0 : i32
    %cond3A_122 = arith.cmpi ne, %convert_element_type3A_120, %cond3A_121 : i32
    scf.if %cond3A_122 {
      %sub3A = arith.constant 999808 : i32
      %sub3A_275 = arith.subi %squeeze3A_112, %sub3A : i32
      %shift_right_arithmetic3A = arith.constant 7 : i32
      %shift_right_arithmetic3A_276 = arith.shrsi %sub3A_275, %shift_right_arithmetic3A : i32
      %mul3A_277 = arith.constant 128 : i32
      %mul3A_278 = arith.muli %shift_right_arithmetic3A_276, %mul3A_277 : i32
      %multiple_of3A_279 = tpu.assume_multiple %mul3A_278, 128 : i32
      %dma_start3A = arith.constant 0 : i32
      %dma_start3A_280 = tpu.memref_slice %arg7[%dma_start3A, %multiple_of3A_279] : memref<64x256xf32, #tpu.memory_space<hbm>> -> memref<64x128xf32, #tpu.memory_space<hbm>>
      %dma_start3A_281 = arith.constant 0 : i32
      %dma_start3A_282 = tpu.memref_slice %arg7[%dma_start3A_281, %multiple_of3A_279] : memref<64x256xf32, #tpu.memory_space<hbm>> -> memref<64x128xf32, #tpu.memory_space<hbm>>
      tpu.enqueue_dma source(%dma_start3A_282 : memref<64x128xf32, #tpu.memory_space<hbm>>) target(%arg19 : memref<64x128xf32, #tpu.memory_space<vmem>>) target_semaphore(%arg29 : memref<!tpu.dma_semaphore, #tpu.memory_space<semaphore_mem>>)
    } else {
    }
    %scan3A = arith.constant 0 : i32
    %scan3A_123 = arith.constant 31 : i32
    %scan3A_124 = arith.addi %scan3A, %scan3A_123 : i32
    %scan3A_125 = arith.constant 1 : i32
    scf.for %scan3A_275 = %scan3A to %scan3A_124 step %scan3A_125  : i32 {
      %mul3A_276 = arith.constant 4 : i32
      %mul3A_277 = arith.muli %scan3A_275, %mul3A_276 : i32
      %add3A_278 = arith.constant 0 : i32
      %add3A_279 = arith.addi %add3A_278, %mul3A_277 : i32
      %add3A_280 = arith.constant 0 : i32
      %add3A_281 = arith.addi %add3A_279, %add3A_280 : i32
      %dma_wait3A_282 = arith.constant 0 : i32
      %dma_wait3A_283 = arith.constant 0 : i32
      %dma_wait3A_284 = tpu.memref_slice %arg4[%dma_wait3A_282, %dma_wait3A_283] : memref<64x100000xf32, #tpu.memory_space<hbm>> -> memref<64x128xf32, #tpu.memory_space<hbm>>
      %dma_wait3A_285 = arith.constant 0 : i32
      %dma_wait3A_286 = arith.constant 0 : i32
      %dma_wait3A_287 = tpu.memref_slice %arg4[%dma_wait3A_285, %dma_wait3A_286] : memref<64x100000xf32, #tpu.memory_space<hbm>> -> memref<64x128xf32, #tpu.memory_space<hbm>>
      tpu.wait_dma2 semaphore(%arg22 : memref<!tpu.dma_semaphore, #tpu.memory_space<semaphore_mem>>) src(%dma_wait3A_287 : memref<64x128xf32, #tpu.memory_space<hbm>>) dst(%arg12 : memref<64x128xf32, #tpu.memory_space<vmem>>)
      %get3A_288 = arith.index_cast %add3A_281 : i32 to index
      %get3A_289 = tpu.vector_load %arg10[%get3A_288] {strides = array<i32>} : memref<144xi32, #tpu.memory_space<vmem>>, vector<16xi32>,
      %slice3A_290 = vector.extract_strided_slice %get3A_289 {offsets = [0], sizes = [1], strides = [1]} : vector<16xi32> to vector<1xi32>
      %squeeze3A_291 = vector.extract %slice3A_290[0] : i32 from vector<1xi32>
      %and3A_292 = arith.constant 127 : i32
      %and3A_293 = arith.andi %squeeze3A_291, %and3A_292 : i32
      %broadcast_in_dim3A_294 = vector.broadcast %and3A_293 : i32 to vector<16xi32>
      %broadcast_in_dim3A_295 = vector.broadcast %add3A_281 : i32 to vector<16xi32>
      %gather3A_296 = tpu.vector_load_idx %arg12[%add3A_5, %broadcast_in_dim3A_294] : memref<64x128xf32, #tpu.memory_space<vmem>>[vector<16xi32>, vector<16xi32>], vector<16xf32>,
      tpu.vector_store_idx %arg20[%add3A_5, %broadcast_in_dim3A_295], %gather3A_296 : memref<64x128xf32, #tpu.memory_space<vmem>>[vector<16xi32>, vector<16xi32>], vector<16xf32>,
      %gather3A_297 = tpu.vector_load_idx %arg12[%add3A_9, %broadcast_in_dim3A_294] : memref<64x128xf32, #tpu.memory_space<vmem>>[vector<16xi32>, vector<16xi32>], vector<16xf32>,
      tpu.vector_store_idx %arg20[%add3A_9, %broadcast_in_dim3A_295], %gather3A_297 : memref<64x128xf32, #tpu.memory_space<vmem>>[vector<16xi32>, vector<16xi32>], vector<16xf32>,
      %gather3A_298 = tpu.vector_load_idx %arg12[%add3A_13, %broadcast_in_dim3A_294] : memref<64x128xf32, #tpu.memory_space<vmem>>[vector<16xi32>, vector<16xi32>], vector<16xf32>,
      tpu.vector_store_idx %arg20[%add3A_13, %broadcast_in_dim3A_295], %gather3A_298 : memref<64x128xf32, #tpu.memory_space<vmem>>[vector<16xi32>, vector<16xi32>], vector<16xf32>,
      %gather3A_299 = tpu.vector_load_idx %arg12[%add3A_17, %broadcast_in_dim3A_294] : memref<64x128xf32, #tpu.memory_space<vmem>>[vector<16xi32>, vector<16xi32>], vector<16xf32>,
      tpu.vector_store_idx %arg20[%add3A_17, %broadcast_in_dim3A_295], %gather3A_299 : memref<64x128xf32, #tpu.memory_space<vmem>>[vector<16xi32>, vector<16xi32>], vector<16xf32>,
      %add3A_300 = arith.constant 0 : i32
      %add3A_301 = arith.addi %add3A_279, %add3A_300 : i32
      %add3A_302 = arith.constant 4 : i32
      %add3A_303 = arith.addi %add3A_301, %add3A_302 : i32
      %get3A_304 = arith.index_cast %add3A_303 : i32 to index
      %get3A_305 = tpu.vector_load %arg10[%get3A_304] {strides = array<i32>} : memref<144xi32, #tpu.memory_space<vmem>>, vector<16xi32>,
      %slice3A_306 = vector.extract_strided_slice %get3A_305 {offsets = [0], sizes = [1], strides = [1]} : vector<16xi32> to vector<1xi32>
      %squeeze3A_307 = vector.extract %slice3A_306[0] : i32 from vector<1xi32>
      %lt3A_308 = arith.constant 99840 : i32
      %lt3A_309 = arith.cmpi slt, %squeeze3A_307, %lt3A_308 : i32
      %convert_element_type3A_310 = arith.extui %lt3A_309 : i1 to i32
      %cond3A_311 = arith.constant 0 : i32
      %cond3A_312 = arith.cmpi ne, %convert_element_type3A_310, %cond3A_311 : i32
      scf.if %cond3A_312 {
        %shift_right_arithmetic3A = arith.constant 7 : i32
        %shift_right_arithmetic3A_584 = arith.shrsi %squeeze3A_307, %shift_right_arithmetic3A : i32
        %mul3A_585 = arith.constant 128 : i32
        %mul3A_586 = arith.muli %shift_right_arithmetic3A_584, %mul3A_585 : i32
        %multiple_of3A_587 = tpu.assume_multiple %mul3A_586, 128 : i32
        %dma_start3A = arith.constant 0 : i32
        %dma_start3A_588 = tpu.memref_slice %arg4[%dma_start3A, %multiple_of3A_587] : memref<64x100000xf32, #tpu.memory_space<hbm>> -> memref<64x128xf32, #tpu.memory_space<hbm>>
        %dma_start3A_589 = arith.constant 0 : i32
        %dma_start3A_590 = tpu.memref_slice %arg4[%dma_start3A_589, %multiple_of3A_587] : memref<64x100000xf32, #tpu.memory_space<hbm>> -> memref<64x128xf32, #tpu.memory_space<hbm>>
        tpu.enqueue_dma source(%dma_start3A_590 : memref<64x128xf32, #tpu.memory_space<hbm>>) target(%arg12 : memref<64x128xf32, #tpu.memory_space<vmem>>) target_semaphore(%arg22 : memref<!tpu.dma_semaphore, #tpu.memory_space<semaphore_mem>>)
      } else {
      }
      %ge3A_313 = arith.constant 99840 : i32
      %ge3A_314 = arith.cmpi sge, %squeeze3A_307, %ge3A_313 : i32
      %convert_element_type3A_315 = arith.extui %ge3A_314 : i1 to i32
      %cond3A_316 = arith.constant 0 : i32
      %cond3A_317 = arith.cmpi ne, %convert_element_type3A_315, %cond3A_316 : i32
      scf.if %cond3A_317 {
        %sub3A = arith.constant 99840 : i32
        %sub3A_584 = arith.subi %squeeze3A_307, %sub3A : i32
        %shift_right_arithmetic3A = arith.constant 7 : i32
        %shift_right_arithmetic3A_585 = arith.shrsi %sub3A_584, %shift_right_arithmetic3A : i32
        %mul3A_586 = arith.constant 128 : i32
        %mul3A_587 = arith.muli %shift_right_arithmetic3A_585, %mul3A_586 : i32
        %multiple_of3A_588 = tpu.assume_multiple %mul3A_587, 128 : i32
        %dma_start3A = arith.constant 0 : i32
        %dma_start3A_589 = tpu.memref_slice %arg6[%dma_start3A, %multiple_of3A_588] : memref<64x256xf32, #tpu.memory_space<hbm>> -> memref<64x128xf32, #tpu.memory_space<hbm>>
        %dma_start3A_590 = arith.constant 0 : i32
        %dma_start3A_591 = tpu.memref_slice %arg6[%dma_start3A_590, %multiple_of3A_588] : memref<64x256xf32, #tpu.memory_space<hbm>> -> memref<64x128xf32, #tpu.memory_space<hbm>>
        tpu.enqueue_dma source(%dma_start3A_591 : memref<64x128xf32, #tpu.memory_space<hbm>>) target(%arg12 : memref<64x128xf32, #tpu.memory_space<vmem>>) target_semaphore(%arg22 : memref<!tpu.dma_semaphore, #tpu.memory_space<semaphore_mem>>)
      } else {
      }
      %add3A_318 = arith.constant 0 : i32
      %add3A_319 = arith.addi %add3A_279, %add3A_318 : i32
      %dma_wait3A_320 = arith.constant 0 : i32
      %dma_wait3A_321 = arith.constant 0 : i32
      %dma_wait3A_322 = tpu.memref_slice %arg5[%dma_wait3A_320, %dma_wait3A_321] : memref<64x1000000xf32, #tpu.memory_space<hbm>> -> memref<64x128xf32, #tpu.memory_space<hbm>>
      %dma_wait3A_323 = arith.constant 0 : i32
      %dma_wait3A_324 = arith.constant 0 : i32
      %dma_wait3A_325 = tpu.memref_slice %arg5[%dma_wait3A_323, %dma_wait3A_324] : memref<64x1000000xf32, #tpu.memory_space<hbm>> -> memref<64x128xf32, #tpu.memory_space<hbm>>
      tpu.wait_dma2 semaphore(%arg26 : memref<!tpu.dma_semaphore, #tpu.memory_space<semaphore_mem>>) src(%dma_wait3A_325 : memref<64x128xf32, #tpu.memory_space<hbm>>) dst(%arg16 : memref<64x128xf32, #tpu.memory_space<vmem>>)
      %get3A_326 = arith.index_cast %add3A_319 : i32 to index
      %get3A_327 = tpu.vector_load %arg11[%get3A_326] {strides = array<i32>} : memref<144xi32, #tpu.memory_space<vmem>>, vector<16xi32>,
      %slice3A_328 = vector.extract_strided_slice %get3A_327 {offsets = [0], sizes = [1], strides = [1]} : vector<16xi32> to vector<1xi32>
      %squeeze3A_329 = vector.extract %slice3A_328[0] : i32 from vector<1xi32>
      %and3A_330 = arith.constant 127 : i32
      %and3A_331 = arith.andi %squeeze3A_329, %and3A_330 : i32
      %broadcast_in_dim3A_332 = vector.broadcast %and3A_331 : i32 to vector<16xi32>
      %broadcast_in_dim3A_333 = vector.broadcast %add3A_319 : i32 to vector<16xi32>
      %gather3A_334 = tpu.vector_load_idx %arg16[%add3A_5, %broadcast_in_dim3A_332] : memref<64x128xf32, #tpu.memory_space<vmem>>[vector<16xi32>, vector<16xi32>], vector<16xf32>,
      tpu.vector_store_idx %arg21[%add3A_5, %broadcast_in_dim3A_333], %gather3A_334 : memref<64x128xf32, #tpu.memory_space<vmem>>[vector<16xi32>, vector<16xi32>], vector<16xf32>,
      %gather3A_335 = tpu.vector_load_idx %arg16[%add3A_9, %broadcast_in_dim3A_332] : memref<64x128xf32, #tpu.memory_space<vmem>>[vector<16xi32>, vector<16xi32>], vector<16xf32>,
      tpu.vector_store_idx %arg21[%add3A_9, %broadcast_in_dim3A_333], %gather3A_335 : memref<64x128xf32, #tpu.memory_space<vmem>>[vector<16xi32>, vector<16xi32>], vector<16xf32>,
      %gather3A_336 = tpu.vector_load_idx %arg16[%add3A_13, %broadcast_in_dim3A_332] : memref<64x128xf32, #tpu.memory_space<vmem>>[vector<16xi32>, vector<16xi32>], vector<16xf32>,
      tpu.vector_store_idx %arg21[%add3A_13, %broadcast_in_dim3A_333], %gather3A_336 : memref<64x128xf32, #tpu.memory_space<vmem>>[vector<16xi32>, vector<16xi32>], vector<16xf32>,
      %gather3A_337 = tpu.vector_load_idx %arg16[%add3A_17, %broadcast_in_dim3A_332] : memref<64x128xf32, #tpu.memory_space<vmem>>[vector<16xi32>, vector<16xi32>], vector<16xf32>,
      tpu.vector_store_idx %arg21[%add3A_17, %broadcast_in_dim3A_333], %gather3A_337 : memref<64x128xf32, #tpu.memory_space<vmem>>[vector<16xi32>, vector<16xi32>], vector<16xf32>,
      %add3A_338 = arith.constant 0 : i32
      %add3A_339 = arith.addi %add3A_279, %add3A_338 : i32
      %add3A_340 = arith.constant 4 : i32
      %add3A_341 = arith.addi %add3A_339, %add3A_340 : i32
      %get3A_342 = arith.index_cast %add3A_341 : i32 to index
      %get3A_343 = tpu.vector_load %arg11[%get3A_342] {strides = array<i32>} : memref<144xi32, #tpu.memory_space<vmem>>, vector<16xi32>,
      %slice3A_344 = vector.extract_strided_slice %get3A_343 {offsets = [0], sizes = [1], strides = [1]} : vector<16xi32> to vector<1xi32>
      %squeeze3A_345 = vector.extract %slice3A_344[0] : i32 from vector<1xi32>
      %lt3A_346 = arith.constant 999808 : i32
      %lt3A_347 = arith.cmpi slt, %squeeze3A_345, %lt3A_346 : i32
      %convert_element_type3A_348 = arith.extui %lt3A_347 : i1 to i32
      %cond3A_349 = arith.constant 0 : i32
      %cond3A_350 = arith.cmpi ne, %convert_element_type3A_348, %cond3A_349 : i32
      scf.if %cond3A_350 {
        %shift_right_arithmetic3A = arith.constant 7 : i32
        %shift_right_arithmetic3A_584 = arith.shrsi %squeeze3A_345, %shift_right_arithmetic3A : i32
        %mul3A_585 = arith.constant 128 : i32
        %mul3A_586 = arith.muli %shift_right_arithmetic3A_584, %mul3A_585 : i32
        %multiple_of3A_587 = tpu.assume_multiple %mul3A_586, 128 : i32
        %dma_start3A = arith.constant 0 : i32
        %dma_start3A_588 = tpu.memref_slice %arg5[%dma_start3A, %multiple_of3A_587] : memref<64x1000000xf32, #tpu.memory_space<hbm>> -> memref<64x128xf32, #tpu.memory_space<hbm>>
        %dma_start3A_589 = arith.constant 0 : i32
        %dma_start3A_590 = tpu.memref_slice %arg5[%dma_start3A_589, %multiple_of3A_587] : memref<64x1000000xf32, #tpu.memory_space<hbm>> -> memref<64x128xf32, #tpu.memory_space<hbm>>
        tpu.enqueue_dma source(%dma_start3A_590 : memref<64x128xf32, #tpu.memory_space<hbm>>) target(%arg16 : memref<64x128xf32, #tpu.memory_space<vmem>>) target_semaphore(%arg26 : memref<!tpu.dma_semaphore, #tpu.memory_space<semaphore_mem>>)
      } else {
      }
      %ge3A_351 = arith.constant 999808 : i32
      %ge3A_352 = arith.cmpi sge, %squeeze3A_345, %ge3A_351 : i32
      %convert_element_type3A_353 = arith.extui %ge3A_352 : i1 to i32
      %cond3A_354 = arith.constant 0 : i32
      %cond3A_355 = arith.cmpi ne, %convert_element_type3A_353, %cond3A_354 : i32
      scf.if %cond3A_355 {
        %sub3A = arith.constant 999808 : i32
        %sub3A_584 = arith.subi %squeeze3A_345, %sub3A : i32
        %shift_right_arithmetic3A = arith.constant 7 : i32
        %shift_right_arithmetic3A_585 = arith.shrsi %sub3A_584, %shift_right_arithmetic3A : i32
        %mul3A_586 = arith.constant 128 : i32
        %mul3A_587 = arith.muli %shift_right_arithmetic3A_585, %mul3A_586 : i32
        %multiple_of3A_588 = tpu.assume_multiple %mul3A_587, 128 : i32
        %dma_start3A = arith.constant 0 : i32
        %dma_start3A_589 = tpu.memref_slice %arg7[%dma_start3A, %multiple_of3A_588] : memref<64x256xf32, #tpu.memory_space<hbm>> -> memref<64x128xf32, #tpu.memory_space<hbm>>
        %dma_start3A_590 = arith.constant 0 : i32
        %dma_start3A_591 = tpu.memref_slice %arg7[%dma_start3A_590, %multiple_of3A_588] : memref<64x256xf32, #tpu.memory_space<hbm>> -> memref<64x128xf32, #tpu.memory_space<hbm>>
        tpu.enqueue_dma source(%dma_start3A_591 : memref<64x128xf32, #tpu.memory_space<hbm>>) target(%arg16 : memref<64x128xf32, #tpu.memory_space<vmem>>) target_semaphore(%arg26 : memref<!tpu.dma_semaphore, #tpu.memory_space<semaphore_mem>>)
      } else {
      }
      %add3A_356 = arith.constant 1 : i32
      %add3A_357 = arith.addi %add3A_279, %add3A_356 : i32
      %dma_wait3A_358 = arith.constant 0 : i32
      %dma_wait3A_359 = arith.constant 0 : i32
      %dma_wait3A_360 = tpu.memref_slice %arg4[%dma_wait3A_358, %dma_wait3A_359] : memref<64x100000xf32, #tpu.memory_space<hbm>> -> memref<64x128xf32, #tpu.memory_space<hbm>>
      %dma_wait3A_361 = arith.constant 0 : i32
      %dma_wait3A_362 = arith.constant 0 : i32
      %dma_wait3A_363 = tpu.memref_slice %arg4[%dma_wait3A_361, %dma_wait3A_362] : memref<64x100000xf32, #tpu.memory_space<hbm>> -> memref<64x128xf32, #tpu.memory_space<hbm>>
      tpu.wait_dma2 semaphore(%arg23 : memref<!tpu.dma_semaphore, #tpu.memory_space<semaphore_mem>>) src(%dma_wait3A_363 : memref<64x128xf32, #tpu.memory_space<hbm>>) dst(%arg13 : memref<64x128xf32, #tpu.memory_space<vmem>>)
      %get3A_364 = arith.index_cast %add3A_357 : i32 to index
      %get3A_365 = tpu.vector_load %arg10[%get3A_364] {strides = array<i32>} : memref<144xi32, #tpu.memory_space<vmem>>, vector<16xi32>,
      %slice3A_366 = vector.extract_strided_slice %get3A_365 {offsets = [0], sizes = [1], strides = [1]} : vector<16xi32> to vector<1xi32>
      %squeeze3A_367 = vector.extract %slice3A_366[0] : i32 from vector<1xi32>
      %and3A_368 = arith.constant 127 : i32
      %and3A_369 = arith.andi %squeeze3A_367, %and3A_368 : i32
      %broadcast_in_dim3A_370 = vector.broadcast %and3A_369 : i32 to vector<16xi32>
      %broadcast_in_dim3A_371 = vector.broadcast %add3A_357 : i32 to vector<16xi32>
      %gather3A_372 = tpu.vector_load_idx %arg13[%add3A_5, %broadcast_in_dim3A_370] : memref<64x128xf32, #tpu.memory_space<vmem>>[vector<16xi32>, vector<16xi32>], vector<16xf32>,
      tpu.vector_store_idx %arg20[%add3A_5, %broadcast_in_dim3A_371], %gather3A_372 : memref<64x128xf32, #tpu.memory_space<vmem>>[vector<16xi32>, vector<16xi32>], vector<16xf32>,
      %gather3A_373 = tpu.vector_load_idx %arg13[%add3A_9, %broadcast_in_dim3A_370] : memref<64x128xf32, #tpu.memory_space<vmem>>[vector<16xi32>, vector<16xi32>], vector<16xf32>,
      tpu.vector_store_idx %arg20[%add3A_9, %broadcast_in_dim3A_371], %gather3A_373 : memref<64x128xf32, #tpu.memory_space<vmem>>[vector<16xi32>, vector<16xi32>], vector<16xf32>,
      %gather3A_374 = tpu.vector_load_idx %arg13[%add3A_13, %broadcast_in_dim3A_370] : memref<64x128xf32, #tpu.memory_space<vmem>>[vector<16xi32>, vector<16xi32>], vector<16xf32>,
      tpu.vector_store_idx %arg20[%add3A_13, %broadcast_in_dim3A_371], %gather3A_374 : memref<64x128xf32, #tpu.memory_space<vmem>>[vector<16xi32>, vector<16xi32>], vector<16xf32>,
      %gather3A_375 = tpu.vector_load_idx %arg13[%add3A_17, %broadcast_in_dim3A_370] : memref<64x128xf32, #tpu.memory_space<vmem>>[vector<16xi32>, vector<16xi32>], vector<16xf32>,
      tpu.vector_store_idx %arg20[%add3A_17, %broadcast_in_dim3A_371], %gather3A_375 : memref<64x128xf32, #tpu.memory_space<vmem>>[vector<16xi32>, vector<16xi32>], vector<16xf32>,
      %add3A_376 = arith.constant 1 : i32
      %add3A_377 = arith.addi %add3A_279, %add3A_376 : i32
      %add3A_378 = arith.constant 4 : i32
      %add3A_379 = arith.addi %add3A_377, %add3A_378 : i32
      %get3A_380 = arith.index_cast %add3A_379 : i32 to index
      %get3A_381 = tpu.vector_load %arg10[%get3A_380] {strides = array<i32>} : memref<144xi32, #tpu.memory_space<vmem>>, vector<16xi32>,
      %slice3A_382 = vector.extract_strided_slice %get3A_381 {offsets = [0], sizes = [1], strides = [1]} : vector<16xi32> to vector<1xi32>
      %squeeze3A_383 = vector.extract %slice3A_382[0] : i32 from vector<1xi32>
      %lt3A_384 = arith.constant 99840 : i32
      %lt3A_385 = arith.cmpi slt, %squeeze3A_383, %lt3A_384 : i32
      %convert_element_type3A_386 = arith.extui %lt3A_385 : i1 to i32
      %cond3A_387 = arith.constant 0 : i32
      %cond3A_388 = arith.cmpi ne, %convert_element_type3A_386, %cond3A_387 : i32
      scf.if %cond3A_388 {
        %shift_right_arithmetic3A = arith.constant 7 : i32
        %shift_right_arithmetic3A_584 = arith.shrsi %squeeze3A_383, %shift_right_arithmetic3A : i32
        %mul3A_585 = arith.constant 128 : i32
        %mul3A_586 = arith.muli %shift_right_arithmetic3A_584, %mul3A_585 : i32
        %multiple_of3A_587 = tpu.assume_multiple %mul3A_586, 128 : i32
        %dma_start3A = arith.constant 0 : i32
        %dma_start3A_588 = tpu.memref_slice %arg4[%dma_start3A, %multiple_of3A_587] : memref<64x100000xf32, #tpu.memory_space<hbm>> -> memref<64x128xf32, #tpu.memory_space<hbm>>
        %dma_start3A_589 = arith.constant 0 : i32
        %dma_start3A_590 = tpu.memref_slice %arg4[%dma_start3A_589, %multiple_of3A_587] : memref<64x100000xf32, #tpu.memory_space<hbm>> -> memref<64x128xf32, #tpu.memory_space<hbm>>
        tpu.enqueue_dma source(%dma_start3A_590 : memref<64x128xf32, #tpu.memory_space<hbm>>) target(%arg13 : memref<64x128xf32, #tpu.memory_space<vmem>>) target_semaphore(%arg23 : memref<!tpu.dma_semaphore, #tpu.memory_space<semaphore_mem>>)
      } else {
      }
      %ge3A_389 = arith.constant 99840 : i32
      %ge3A_390 = arith.cmpi sge, %squeeze3A_383, %ge3A_389 : i32
      %convert_element_type3A_391 = arith.extui %ge3A_390 : i1 to i32
      %cond3A_392 = arith.constant 0 : i32
      %cond3A_393 = arith.cmpi ne, %convert_element_type3A_391, %cond3A_392 : i32
      scf.if %cond3A_393 {
        %sub3A = arith.constant 99840 : i32
        %sub3A_584 = arith.subi %squeeze3A_383, %sub3A : i32
        %shift_right_arithmetic3A = arith.constant 7 : i32
        %shift_right_arithmetic3A_585 = arith.shrsi %sub3A_584, %shift_right_arithmetic3A : i32
        %mul3A_586 = arith.constant 128 : i32
        %mul3A_587 = arith.muli %shift_right_arithmetic3A_585, %mul3A_586 : i32
        %multiple_of3A_588 = tpu.assume_multiple %mul3A_587, 128 : i32
        %dma_start3A = arith.constant 0 : i32
        %dma_start3A_589 = tpu.memref_slice %arg6[%dma_start3A, %multiple_of3A_588] : memref<64x256xf32, #tpu.memory_space<hbm>> -> memref<64x128xf32, #tpu.memory_space<hbm>>
        %dma_start3A_590 = arith.constant 0 : i32
        %dma_start3A_591 = tpu.memref_slice %arg6[%dma_start3A_590, %multiple_of3A_588] : memref<64x256xf32, #tpu.memory_space<hbm>> -> memref<64x128xf32, #tpu.memory_space<hbm>>
        tpu.enqueue_dma source(%dma_start3A_591 : memref<64x128xf32, #tpu.memory_space<hbm>>) target(%arg13 : memref<64x128xf32, #tpu.memory_space<vmem>>) target_semaphore(%arg23 : memref<!tpu.dma_semaphore, #tpu.memory_space<semaphore_mem>>)
      } else {
      }
      %add3A_394 = arith.constant 1 : i32
      %add3A_395 = arith.addi %add3A_279, %add3A_394 : i32
      %dma_wait3A_396 = arith.constant 0 : i32
      %dma_wait3A_397 = arith.constant 0 : i32
      %dma_wait3A_398 = tpu.memref_slice %arg5[%dma_wait3A_396, %dma_wait3A_397] : memref<64x1000000xf32, #tpu.memory_space<hbm>> -> memref<64x128xf32, #tpu.memory_space<hbm>>
      %dma_wait3A_399 = arith.constant 0 : i32
      %dma_wait3A_400 = arith.constant 0 : i32
      %dma_wait3A_401 = tpu.memref_slice %arg5[%dma_wait3A_399, %dma_wait3A_400] : memref<64x1000000xf32, #tpu.memory_space<hbm>> -> memref<64x128xf32, #tpu.memory_space<hbm>>
      tpu.wait_dma2 semaphore(%arg27 : memref<!tpu.dma_semaphore, #tpu.memory_space<semaphore_mem>>) src(%dma_wait3A_401 : memref<64x128xf32, #tpu.memory_space<hbm>>) dst(%arg17 : memref<64x128xf32, #tpu.memory_space<vmem>>)
      %get3A_402 = arith.index_cast %add3A_395 : i32 to index
      %get3A_403 = tpu.vector_load %arg11[%get3A_402] {strides = array<i32>} : memref<144xi32, #tpu.memory_space<vmem>>, vector<16xi32>,
      %slice3A_404 = vector.extract_strided_slice %get3A_403 {offsets = [0], sizes = [1], strides = [1]} : vector<16xi32> to vector<1xi32>
      %squeeze3A_405 = vector.extract %slice3A_404[0] : i32 from vector<1xi32>
      %and3A_406 = arith.constant 127 : i32
      %and3A_407 = arith.andi %squeeze3A_405, %and3A_406 : i32
      %broadcast_in_dim3A_408 = vector.broadcast %and3A_407 : i32 to vector<16xi32>
      %broadcast_in_dim3A_409 = vector.broadcast %add3A_395 : i32 to vector<16xi32>
      %gather3A_410 = tpu.vector_load_idx %arg17[%add3A_5, %broadcast_in_dim3A_408] : memref<64x128xf32, #tpu.memory_space<vmem>>[vector<16xi32>, vector<16xi32>], vector<16xf32>,
      tpu.vector_store_idx %arg21[%add3A_5, %broadcast_in_dim3A_409], %gather3A_410 : memref<64x128xf32, #tpu.memory_space<vmem>>[vector<16xi32>, vector<16xi32>], vector<16xf32>,
      %gather3A_411 = tpu.vector_load_idx %arg17[%add3A_9, %broadcast_in_dim3A_408] : memref<64x128xf32, #tpu.memory_space<vmem>>[vector<16xi32>, vector<16xi32>], vector<16xf32>,
      tpu.vector_store_idx %arg21[%add3A_9, %broadcast_in_dim3A_409], %gather3A_411 : memref<64x128xf32, #tpu.memory_space<vmem>>[vector<16xi32>, vector<16xi32>], vector<16xf32>,
      %gather3A_412 = tpu.vector_load_idx %arg17[%add3A_13, %broadcast_in_dim3A_408] : memref<64x128xf32, #tpu.memory_space<vmem>>[vector<16xi32>, vector<16xi32>], vector<16xf32>,
      tpu.vector_store_idx %arg21[%add3A_13, %broadcast_in_dim3A_409], %gather3A_412 : memref<64x128xf32, #tpu.memory_space<vmem>>[vector<16xi32>, vector<16xi32>], vector<16xf32>,
      %gather3A_413 = tpu.vector_load_idx %arg17[%add3A_17, %broadcast_in_dim3A_408] : memref<64x128xf32, #tpu.memory_space<vmem>>[vector<16xi32>, vector<16xi32>], vector<16xf32>,
      tpu.vector_store_idx %arg21[%add3A_17, %broadcast_in_dim3A_409], %gather3A_413 : memref<64x128xf32, #tpu.memory_space<vmem>>[vector<16xi32>, vector<16xi32>], vector<16xf32>,
      %add3A_414 = arith.constant 1 : i32
      %add3A_415 = arith.addi %add3A_279, %add3A_414 : i32
      %add3A_416 = arith.constant 4 : i32
      %add3A_417 = arith.addi %add3A_415, %add3A_416 : i32
      %get3A_418 = arith.index_cast %add3A_417 : i32 to index
      %get3A_419 = tpu.vector_load %arg11[%get3A_418] {strides = array<i32>} : memref<144xi32, #tpu.memory_space<vmem>>, vector<16xi32>,
      %slice3A_420 = vector.extract_strided_slice %get3A_419 {offsets = [0], sizes = [1], strides = [1]} : vector<16xi32> to vector<1xi32>
      %squeeze3A_421 = vector.extract %slice3A_420[0] : i32 from vector<1xi32>
      %lt3A_422 = arith.constant 999808 : i32
      %lt3A_423 = arith.cmpi slt, %squeeze3A_421, %lt3A_422 : i32
      %convert_element_type3A_424 = arith.extui %lt3A_423 : i1 to i32
      %cond3A_425 = arith.constant 0 : i32
      %cond3A_426 = arith.cmpi ne, %convert_element_type3A_424, %cond3A_425 : i32
      scf.if %cond3A_426 {
        %shift_right_arithmetic3A = arith.constant 7 : i32
        %shift_right_arithmetic3A_584 = arith.shrsi %squeeze3A_421, %shift_right_arithmetic3A : i32
        %mul3A_585 = arith.constant 128 : i32
        %mul3A_586 = arith.muli %shift_right_arithmetic3A_584, %mul3A_585 : i32
        %multiple_of3A_587 = tpu.assume_multiple %mul3A_586, 128 : i32
        %dma_start3A = arith.constant 0 : i32
        %dma_start3A_588 = tpu.memref_slice %arg5[%dma_start3A, %multiple_of3A_587] : memref<64x1000000xf32, #tpu.memory_space<hbm>> -> memref<64x128xf32, #tpu.memory_space<hbm>>
        %dma_start3A_589 = arith.constant 0 : i32
        %dma_start3A_590 = tpu.memref_slice %arg5[%dma_start3A_589, %multiple_of3A_587] : memref<64x1000000xf32, #tpu.memory_space<hbm>> -> memref<64x128xf32, #tpu.memory_space<hbm>>
        tpu.enqueue_dma source(%dma_start3A_590 : memref<64x128xf32, #tpu.memory_space<hbm>>) target(%arg17 : memref<64x128xf32, #tpu.memory_space<vmem>>) target_semaphore(%arg27 : memref<!tpu.dma_semaphore, #tpu.memory_space<semaphore_mem>>)
      } else {
      }
      %ge3A_427 = arith.constant 999808 : i32
      %ge3A_428 = arith.cmpi sge, %squeeze3A_421, %ge3A_427 : i32
      %convert_element_type3A_429 = arith.extui %ge3A_428 : i1 to i32
      %cond3A_430 = arith.constant 0 : i32
      %cond3A_431 = arith.cmpi ne, %convert_element_type3A_429, %cond3A_430 : i32
      scf.if %cond3A_431 {
        %sub3A = arith.constant 999808 : i32
        %sub3A_584 = arith.subi %squeeze3A_421, %sub3A : i32
        %shift_right_arithmetic3A = arith.constant 7 : i32
        %shift_right_arithmetic3A_585 = arith.shrsi %sub3A_584, %shift_right_arithmetic3A : i32
        %mul3A_586 = arith.constant 128 : i32
        %mul3A_587 = arith.muli %shift_right_arithmetic3A_585, %mul3A_586 : i32
        %multiple_of3A_588 = tpu.assume_multiple %mul3A_587, 128 : i32
        %dma_start3A = arith.constant 0 : i32
        %dma_start3A_589 = tpu.memref_slice %arg7[%dma_start3A, %multiple_of3A_588] : memref<64x256xf32, #tpu.memory_space<hbm>> -> memref<64x128xf32, #tpu.memory_space<hbm>>
        %dma_start3A_590 = arith.constant 0 : i32
        %dma_start3A_591 = tpu.memref_slice %arg7[%dma_start3A_590, %multiple_of3A_588] : memref<64x256xf32, #tpu.memory_space<hbm>> -> memref<64x128xf32, #tpu.memory_space<hbm>>
        tpu.enqueue_dma source(%dma_start3A_591 : memref<64x128xf32, #tpu.memory_space<hbm>>) target(%arg17 : memref<64x128xf32, #tpu.memory_space<vmem>>) target_semaphore(%arg27 : memref<!tpu.dma_semaphore, #tpu.memory_space<semaphore_mem>>)
      } else {
      }
      %add3A_432 = arith.constant 2 : i32
      %add3A_433 = arith.addi %add3A_279, %add3A_432 : i32
      %dma_wait3A_434 = arith.constant 0 : i32
      %dma_wait3A_435 = arith.constant 0 : i32
      %dma_wait3A_436 = tpu.memref_slice %arg4[%dma_wait3A_434, %dma_wait3A_435] : memref<64x100000xf32, #tpu.memory_space<hbm>> -> memref<64x128xf32, #tpu.memory_space<hbm>>
      %dma_wait3A_437 = arith.constant 0 : i32
      %dma_wait3A_438 = arith.constant 0 : i32
      %dma_wait3A_439 = tpu.memref_slice %arg4[%dma_wait3A_437, %dma_wait3A_438] : memref<64x100000xf32, #tpu.memory_space<hbm>> -> memref<64x128xf32, #tpu.memory_space<hbm>>
      tpu.wait_dma2 semaphore(%arg24 : memref<!tpu.dma_semaphore, #tpu.memory_space<semaphore_mem>>) src(%dma_wait3A_439 : memref<64x128xf32, #tpu.memory_space<hbm>>) dst(%arg14 : memref<64x128xf32, #tpu.memory_space<vmem>>)
      %get3A_440 = arith.index_cast %add3A_433 : i32 to index
      %get3A_441 = tpu.vector_load %arg10[%get3A_440] {strides = array<i32>} : memref<144xi32, #tpu.memory_space<vmem>>, vector<16xi32>,
      %slice3A_442 = vector.extract_strided_slice %get3A_441 {offsets = [0], sizes = [1], strides = [1]} : vector<16xi32> to vector<1xi32>
      %squeeze3A_443 = vector.extract %slice3A_442[0] : i32 from vector<1xi32>
      %and3A_444 = arith.constant 127 : i32
      %and3A_445 = arith.andi %squeeze3A_443, %and3A_444 : i32
      %broadcast_in_dim3A_446 = vector.broadcast %and3A_445 : i32 to vector<16xi32>
      %broadcast_in_dim3A_447 = vector.broadcast %add3A_433 : i32 to vector<16xi32>
      %gather3A_448 = tpu.vector_load_idx %arg14[%add3A_5, %broadcast_in_dim3A_446] : memref<64x128xf32, #tpu.memory_space<vmem>>[vector<16xi32>, vector<16xi32>], vector<16xf32>,
      tpu.vector_store_idx %arg20[%add3A_5, %broadcast_in_dim3A_447], %gather3A_448 : memref<64x128xf32, #tpu.memory_space<vmem>>[vector<16xi32>, vector<16xi32>], vector<16xf32>,
      %gather3A_449 = tpu.vector_load_idx %arg14[%add3A_9, %broadcast_in_dim3A_446] : memref<64x128xf32, #tpu.memory_space<vmem>>[vector<16xi32>, vector<16xi32>], vector<16xf32>,
      tpu.vector_store_idx %arg20[%add3A_9, %broadcast_in_dim3A_447], %gather3A_449 : memref<64x128xf32, #tpu.memory_space<vmem>>[vector<16xi32>, vector<16xi32>], vector<16xf32>,
      %gather3A_450 = tpu.vector_load_idx %arg14[%add3A_13, %broadcast_in_dim3A_446] : memref<64x128xf32, #tpu.memory_space<vmem>>[vector<16xi32>, vector<16xi32>], vector<16xf32>,
      tpu.vector_store_idx %arg20[%add3A_13, %broadcast_in_dim3A_447], %gather3A_450 : memref<64x128xf32, #tpu.memory_space<vmem>>[vector<16xi32>, vector<16xi32>], vector<16xf32>,
      %gather3A_451 = tpu.vector_load_idx %arg14[%add3A_17, %broadcast_in_dim3A_446] : memref<64x128xf32, #tpu.memory_space<vmem>>[vector<16xi32>, vector<16xi32>], vector<16xf32>,
      tpu.vector_store_idx %arg20[%add3A_17, %broadcast_in_dim3A_447], %gather3A_451 : memref<64x128xf32, #tpu.memory_space<vmem>>[vector<16xi32>, vector<16xi32>], vector<16xf32>,
      %add3A_452 = arith.constant 2 : i32
      %add3A_453 = arith.addi %add3A_279, %add3A_452 : i32
      %add3A_454 = arith.constant 4 : i32
      %add3A_455 = arith.addi %add3A_453, %add3A_454 : i32
      %get3A_456 = arith.index_cast %add3A_455 : i32 to index
      %get3A_457 = tpu.vector_load %arg10[%get3A_456] {strides = array<i32>} : memref<144xi32, #tpu.memory_space<vmem>>, vector<16xi32>,
      %slice3A_458 = vector.extract_strided_slice %get3A_457 {offsets = [0], sizes = [1], strides = [1]} : vector<16xi32> to vector<1xi32>
      %squeeze3A_459 = vector.extract %slice3A_458[0] : i32 from vector<1xi32>
      %lt3A_460 = arith.constant 99840 : i32
      %lt3A_461 = arith.cmpi slt, %squeeze3A_459, %lt3A_460 : i32
      %convert_element_type3A_462 = arith.extui %lt3A_461 : i1 to i32
      %cond3A_463 = arith.constant 0 : i32
      %cond3A_464 = arith.cmpi ne, %convert_element_type3A_462, %cond3A_463 : i32
      scf.if %cond3A_464 {
        %shift_right_arithmetic3A = arith.constant 7 : i32
        %shift_right_arithmetic3A_584 = arith.shrsi %squeeze3A_459, %shift_right_arithmetic3A : i32
        %mul3A_585 = arith.constant 128 : i32
        %mul3A_586 = arith.muli %shift_right_arithmetic3A_584, %mul3A_585 : i32
        %multiple_of3A_587 = tpu.assume_multiple %mul3A_586, 128 : i32
        %dma_start3A = arith.constant 0 : i32
        %dma_start3A_588 = tpu.memref_slice %arg4[%dma_start3A, %multiple_of3A_587] : memref<64x100000xf32, #tpu.memory_space<hbm>> -> memref<64x128xf32, #tpu.memory_space<hbm>>
        %dma_start3A_589 = arith.constant 0 : i32
        %dma_start3A_590 = tpu.memref_slice %arg4[%dma_start3A_589, %multiple_of3A_587] : memref<64x100000xf32, #tpu.memory_space<hbm>> -> memref<64x128xf32, #tpu.memory_space<hbm>>
        tpu.enqueue_dma source(%dma_start3A_590 : memref<64x128xf32, #tpu.memory_space<hbm>>) target(%arg14 : memref<64x128xf32, #tpu.memory_space<vmem>>) target_semaphore(%arg24 : memref<!tpu.dma_semaphore, #tpu.memory_space<semaphore_mem>>)
      } else {
      }
      %ge3A_465 = arith.constant 99840 : i32
      %ge3A_466 = arith.cmpi sge, %squeeze3A_459, %ge3A_465 : i32
      %convert_element_type3A_467 = arith.extui %ge3A_466 : i1 to i32
      %cond3A_468 = arith.constant 0 : i32
      %cond3A_469 = arith.cmpi ne, %convert_element_type3A_467, %cond3A_468 : i32
      scf.if %cond3A_469 {
        %sub3A = arith.constant 99840 : i32
        %sub3A_584 = arith.subi %squeeze3A_459, %sub3A : i32
        %shift_right_arithmetic3A = arith.constant 7 : i32
        %shift_right_arithmetic3A_585 = arith.shrsi %sub3A_584, %shift_right_arithmetic3A : i32
        %mul3A_586 = arith.constant 128 : i32
        %mul3A_587 = arith.muli %shift_right_arithmetic3A_585, %mul3A_586 : i32
        %multiple_of3A_588 = tpu.assume_multiple %mul3A_587, 128 : i32
        %dma_start3A = arith.constant 0 : i32
        %dma_start3A_589 = tpu.memref_slice %arg6[%dma_start3A, %multiple_of3A_588] : memref<64x256xf32, #tpu.memory_space<hbm>> -> memref<64x128xf32, #tpu.memory_space<hbm>>
        %dma_start3A_590 = arith.constant 0 : i32
        %dma_start3A_591 = tpu.memref_slice %arg6[%dma_start3A_590, %multiple_of3A_588] : memref<64x256xf32, #tpu.memory_space<hbm>> -> memref<64x128xf32, #tpu.memory_space<hbm>>
        tpu.enqueue_dma source(%dma_start3A_591 : memref<64x128xf32, #tpu.memory_space<hbm>>) target(%arg14 : memref<64x128xf32, #tpu.memory_space<vmem>>) target_semaphore(%arg24 : memref<!tpu.dma_semaphore, #tpu.memory_space<semaphore_mem>>)
      } else {
      }
      %add3A_470 = arith.constant 2 : i32
      %add3A_471 = arith.addi %add3A_279, %add3A_470 : i32
      %dma_wait3A_472 = arith.constant 0 : i32
      %dma_wait3A_473 = arith.constant 0 : i32
      %dma_wait3A_474 = tpu.memref_slice %arg5[%dma_wait3A_472, %dma_wait3A_473] : memref<64x1000000xf32, #tpu.memory_space<hbm>> -> memref<64x128xf32, #tpu.memory_space<hbm>>
      %dma_wait3A_475 = arith.constant 0 : i32
      %dma_wait3A_476 = arith.constant 0 : i32
      %dma_wait3A_477 = tpu.memref_slice %arg5[%dma_wait3A_475, %dma_wait3A_476] : memref<64x1000000xf32, #tpu.memory_space<hbm>> -> memref<64x128xf32, #tpu.memory_space<hbm>>
      tpu.wait_dma2 semaphore(%arg28 : memref<!tpu.dma_semaphore, #tpu.memory_space<semaphore_mem>>) src(%dma_wait3A_477 : memref<64x128xf32, #tpu.memory_space<hbm>>) dst(%arg18 : memref<64x128xf32, #tpu.memory_space<vmem>>)
      %get3A_478 = arith.index_cast %add3A_471 : i32 to index
      %get3A_479 = tpu.vector_load %arg11[%get3A_478] {strides = array<i32>} : memref<144xi32, #tpu.memory_space<vmem>>, vector<16xi32>,
      %slice3A_480 = vector.extract_strided_slice %get3A_479 {offsets = [0], sizes = [1], strides = [1]} : vector<16xi32> to vector<1xi32>
      %squeeze3A_481 = vector.extract %slice3A_480[0] : i32 from vector<1xi32>
      %and3A_482 = arith.constant 127 : i32
      %and3A_483 = arith.andi %squeeze3A_481, %and3A_482 : i32
      %broadcast_in_dim3A_484 = vector.broadcast %and3A_483 : i32 to vector<16xi32>
      %broadcast_in_dim3A_485 = vector.broadcast %add3A_471 : i32 to vector<16xi32>
      %gather3A_486 = tpu.vector_load_idx %arg18[%add3A_5, %broadcast_in_dim3A_484] : memref<64x128xf32, #tpu.memory_space<vmem>>[vector<16xi32>, vector<16xi32>], vector<16xf32>,
      tpu.vector_store_idx %arg21[%add3A_5, %broadcast_in_dim3A_485], %gather3A_486 : memref<64x128xf32, #tpu.memory_space<vmem>>[vector<16xi32>, vector<16xi32>], vector<16xf32>,
      %gather3A_487 = tpu.vector_load_idx %arg18[%add3A_9, %broadcast_in_dim3A_484] : memref<64x128xf32, #tpu.memory_space<vmem>>[vector<16xi32>, vector<16xi32>], vector<16xf32>,
      tpu.vector_store_idx %arg21[%add3A_9, %broadcast_in_dim3A_485], %gather3A_487 : memref<64x128xf32, #tpu.memory_space<vmem>>[vector<16xi32>, vector<16xi32>], vector<16xf32>,
      %gather3A_488 = tpu.vector_load_idx %arg18[%add3A_13, %broadcast_in_dim3A_484] : memref<64x128xf32, #tpu.memory_space<vmem>>[vector<16xi32>, vector<16xi32>], vector<16xf32>,
      tpu.vector_store_idx %arg21[%add3A_13, %broadcast_in_dim3A_485], %gather3A_488 : memref<64x128xf32, #tpu.memory_space<vmem>>[vector<16xi32>, vector<16xi32>], vector<16xf32>,
      %gather3A_489 = tpu.vector_load_idx %arg18[%add3A_17, %broadcast_in_dim3A_484] : memref<64x128xf32, #tpu.memory_space<vmem>>[vector<16xi32>, vector<16xi32>], vector<16xf32>,
      tpu.vector_store_idx %arg21[%add3A_17, %broadcast_in_dim3A_485], %gather3A_489 : memref<64x128xf32, #tpu.memory_space<vmem>>[vector<16xi32>, vector<16xi32>], vector<16xf32>,
      %add3A_490 = arith.constant 2 : i32
      %add3A_491 = arith.addi %add3A_279, %add3A_490 : i32
      %add3A_492 = arith.constant 4 : i32
      %add3A_493 = arith.addi %add3A_491, %add3A_492 : i32
      %get3A_494 = arith.index_cast %add3A_493 : i32 to index
      %get3A_495 = tpu.vector_load %arg11[%get3A_494] {strides = array<i32>} : memref<144xi32, #tpu.memory_space<vmem>>, vector<16xi32>,
      %slice3A_496 = vector.extract_strided_slice %get3A_495 {offsets = [0], sizes = [1], strides = [1]} : vector<16xi32> to vector<1xi32>
      %squeeze3A_497 = vector.extract %slice3A_496[0] : i32 from vector<1xi32>
      %lt3A_498 = arith.constant 999808 : i32
      %lt3A_499 = arith.cmpi slt, %squeeze3A_497, %lt3A_498 : i32
      %convert_element_type3A_500 = arith.extui %lt3A_499 : i1 to i32
      %cond3A_501 = arith.constant 0 : i32
      %cond3A_502 = arith.cmpi ne, %convert_element_type3A_500, %cond3A_501 : i32
      scf.if %cond3A_502 {
        %shift_right_arithmetic3A = arith.constant 7 : i32
        %shift_right_arithmetic3A_584 = arith.shrsi %squeeze3A_497, %shift_right_arithmetic3A : i32
        %mul3A_585 = arith.constant 128 : i32
        %mul3A_586 = arith.muli %shift_right_arithmetic3A_584, %mul3A_585 : i32
        %multiple_of3A_587 = tpu.assume_multiple %mul3A_586, 128 : i32
        %dma_start3A = arith.constant 0 : i32
        %dma_start3A_588 = tpu.memref_slice %arg5[%dma_start3A, %multiple_of3A_587] : memref<64x1000000xf32, #tpu.memory_space<hbm>> -> memref<64x128xf32, #tpu.memory_space<hbm>>
        %dma_start3A_589 = arith.constant 0 : i32
        %dma_start3A_590 = tpu.memref_slice %arg5[%dma_start3A_589, %multiple_of3A_587] : memref<64x1000000xf32, #tpu.memory_space<hbm>> -> memref<64x128xf32, #tpu.memory_space<hbm>>
        tpu.enqueue_dma source(%dma_start3A_590 : memref<64x128xf32, #tpu.memory_space<hbm>>) target(%arg18 : memref<64x128xf32, #tpu.memory_space<vmem>>) target_semaphore(%arg28 : memref<!tpu.dma_semaphore, #tpu.memory_space<semaphore_mem>>)
      } else {
      }
      %ge3A_503 = arith.constant 999808 : i32
      %ge3A_504 = arith.cmpi sge, %squeeze3A_497, %ge3A_503 : i32
      %convert_element_type3A_505 = arith.extui %ge3A_504 : i1 to i32
      %cond3A_506 = arith.constant 0 : i32
      %cond3A_507 = arith.cmpi ne, %convert_element_type3A_505, %cond3A_506 : i32
      scf.if %cond3A_507 {
        %sub3A = arith.constant 999808 : i32
        %sub3A_584 = arith.subi %squeeze3A_497, %sub3A : i32
        %shift_right_arithmetic3A = arith.constant 7 : i32
        %shift_right_arithmetic3A_585 = arith.shrsi %sub3A_584, %shift_right_arithmetic3A : i32
        %mul3A_586 = arith.constant 128 : i32
        %mul3A_587 = arith.muli %shift_right_arithmetic3A_585, %mul3A_586 : i32
        %multiple_of3A_588 = tpu.assume_multiple %mul3A_587, 128 : i32
        %dma_start3A = arith.constant 0 : i32
        %dma_start3A_589 = tpu.memref_slice %arg7[%dma_start3A, %multiple_of3A_588] : memref<64x256xf32, #tpu.memory_space<hbm>> -> memref<64x128xf32, #tpu.memory_space<hbm>>
        %dma_start3A_590 = arith.constant 0 : i32
        %dma_start3A_591 = tpu.memref_slice %arg7[%dma_start3A_590, %multiple_of3A_588] : memref<64x256xf32, #tpu.memory_space<hbm>> -> memref<64x128xf32, #tpu.memory_space<hbm>>
        tpu.enqueue_dma source(%dma_start3A_591 : memref<64x128xf32, #tpu.memory_space<hbm>>) target(%arg18 : memref<64x128xf32, #tpu.memory_space<vmem>>) target_semaphore(%arg28 : memref<!tpu.dma_semaphore, #tpu.memory_space<semaphore_mem>>)
      } else {
      }
      %add3A_508 = arith.constant 3 : i32
      %add3A_509 = arith.addi %add3A_279, %add3A_508 : i32
      %dma_wait3A_510 = arith.constant 0 : i32
      %dma_wait3A_511 = arith.constant 0 : i32
      %dma_wait3A_512 = tpu.memref_slice %arg4[%dma_wait3A_510, %dma_wait3A_511] : memref<64x100000xf32, #tpu.memory_space<hbm>> -> memref<64x128xf32, #tpu.memory_space<hbm>>
      %dma_wait3A_513 = arith.constant 0 : i32
      %dma_wait3A_514 = arith.constant 0 : i32
      %dma_wait3A_515 = tpu.memref_slice %arg4[%dma_wait3A_513, %dma_wait3A_514] : memref<64x100000xf32, #tpu.memory_space<hbm>> -> memref<64x128xf32, #tpu.memory_space<hbm>>
      tpu.wait_dma2 semaphore(%arg25 : memref<!tpu.dma_semaphore, #tpu.memory_space<semaphore_mem>>) src(%dma_wait3A_515 : memref<64x128xf32, #tpu.memory_space<hbm>>) dst(%arg15 : memref<64x128xf32, #tpu.memory_space<vmem>>)
      %get3A_516 = arith.index_cast %add3A_509 : i32 to index
      %get3A_517 = tpu.vector_load %arg10[%get3A_516] {strides = array<i32>} : memref<144xi32, #tpu.memory_space<vmem>>, vector<16xi32>,
      %slice3A_518 = vector.extract_strided_slice %get3A_517 {offsets = [0], sizes = [1], strides = [1]} : vector<16xi32> to vector<1xi32>
      %squeeze3A_519 = vector.extract %slice3A_518[0] : i32 from vector<1xi32>
      %and3A_520 = arith.constant 127 : i32
      %and3A_521 = arith.andi %squeeze3A_519, %and3A_520 : i32
      %broadcast_in_dim3A_522 = vector.broadcast %and3A_521 : i32 to vector<16xi32>
      %broadcast_in_dim3A_523 = vector.broadcast %add3A_509 : i32 to vector<16xi32>
      %gather3A_524 = tpu.vector_load_idx %arg15[%add3A_5, %broadcast_in_dim3A_522] : memref<64x128xf32, #tpu.memory_space<vmem>>[vector<16xi32>, vector<16xi32>], vector<16xf32>,
      tpu.vector_store_idx %arg20[%add3A_5, %broadcast_in_dim3A_523], %gather3A_524 : memref<64x128xf32, #tpu.memory_space<vmem>>[vector<16xi32>, vector<16xi32>], vector<16xf32>,
      %gather3A_525 = tpu.vector_load_idx %arg15[%add3A_9, %broadcast_in_dim3A_522] : memref<64x128xf32, #tpu.memory_space<vmem>>[vector<16xi32>, vector<16xi32>], vector<16xf32>,
      tpu.vector_store_idx %arg20[%add3A_9, %broadcast_in_dim3A_523], %gather3A_525 : memref<64x128xf32, #tpu.memory_space<vmem>>[vector<16xi32>, vector<16xi32>], vector<16xf32>,
      %gather3A_526 = tpu.vector_load_idx %arg15[%add3A_13, %broadcast_in_dim3A_522] : memref<64x128xf32, #tpu.memory_space<vmem>>[vector<16xi32>, vector<16xi32>], vector<16xf32>,
      tpu.vector_store_idx %arg20[%add3A_13, %broadcast_in_dim3A_523], %gather3A_526 : memref<64x128xf32, #tpu.memory_space<vmem>>[vector<16xi32>, vector<16xi32>], vector<16xf32>,
      %gather3A_527 = tpu.vector_load_idx %arg15[%add3A_17, %broadcast_in_dim3A_522] : memref<64x128xf32, #tpu.memory_space<vmem>>[vector<16xi32>, vector<16xi32>], vector<16xf32>,
      tpu.vector_store_idx %arg20[%add3A_17, %broadcast_in_dim3A_523], %gather3A_527 : memref<64x128xf32, #tpu.memory_space<vmem>>[vector<16xi32>, vector<16xi32>], vector<16xf32>,
      %add3A_528 = arith.constant 3 : i32
      %add3A_529 = arith.addi %add3A_279, %add3A_528 : i32
      %add3A_530 = arith.constant 4 : i32
      %add3A_531 = arith.addi %add3A_529, %add3A_530 : i32
      %get3A_532 = arith.index_cast %add3A_531 : i32 to index
      %get3A_533 = tpu.vector_load %arg10[%get3A_532] {strides = array<i32>} : memref<144xi32, #tpu.memory_space<vmem>>, vector<16xi32>,
      %slice3A_534 = vector.extract_strided_slice %get3A_533 {offsets = [0], sizes = [1], strides = [1]} : vector<16xi32> to vector<1xi32>
      %squeeze3A_535 = vector.extract %slice3A_534[0] : i32 from vector<1xi32>
      %lt3A_536 = arith.constant 99840 : i32
      %lt3A_537 = arith.cmpi slt, %squeeze3A_535, %lt3A_536 : i32
      %convert_element_type3A_538 = arith.extui %lt3A_537 : i1 to i32
      %cond3A_539 = arith.constant 0 : i32
      %cond3A_540 = arith.cmpi ne, %convert_element_type3A_538, %cond3A_539 : i32
      scf.if %cond3A_540 {
        %shift_right_arithmetic3A = arith.constant 7 : i32
        %shift_right_arithmetic3A_584 = arith.shrsi %squeeze3A_535, %shift_right_arithmetic3A : i32
        %mul3A_585 = arith.constant 128 : i32
        %mul3A_586 = arith.muli %shift_right_arithmetic3A_584, %mul3A_585 : i32
        %multiple_of3A_587 = tpu.assume_multiple %mul3A_586, 128 : i32
        %dma_start3A = arith.constant 0 : i32
        %dma_start3A_588 = tpu.memref_slice %arg4[%dma_start3A, %multiple_of3A_587] : memref<64x100000xf32, #tpu.memory_space<hbm>> -> memref<64x128xf32, #tpu.memory_space<hbm>>
        %dma_start3A_589 = arith.constant 0 : i32
        %dma_start3A_590 = tpu.memref_slice %arg4[%dma_start3A_589, %multiple_of3A_587] : memref<64x100000xf32, #tpu.memory_space<hbm>> -> memref<64x128xf32, #tpu.memory_space<hbm>>
        tpu.enqueue_dma source(%dma_start3A_590 : memref<64x128xf32, #tpu.memory_space<hbm>>) target(%arg15 : memref<64x128xf32, #tpu.memory_space<vmem>>) target_semaphore(%arg25 : memref<!tpu.dma_semaphore, #tpu.memory_space<semaphore_mem>>)
      } else {
      }
      %ge3A_541 = arith.constant 99840 : i32
      %ge3A_542 = arith.cmpi sge, %squeeze3A_535, %ge3A_541 : i32
      %convert_element_type3A_543 = arith.extui %ge3A_542 : i1 to i32
      %cond3A_544 = arith.constant 0 : i32
      %cond3A_545 = arith.cmpi ne, %convert_element_type3A_543, %cond3A_544 : i32
      scf.if %cond3A_545 {
        %sub3A = arith.constant 99840 : i32
        %sub3A_584 = arith.subi %squeeze3A_535, %sub3A : i32
        %shift_right_arithmetic3A = arith.constant 7 : i32
        %shift_right_arithmetic3A_585 = arith.shrsi %sub3A_584, %shift_right_arithmetic3A : i32
        %mul3A_586 = arith.constant 128 : i32
        %mul3A_587 = arith.muli %shift_right_arithmetic3A_585, %mul3A_586 : i32
        %multiple_of3A_588 = tpu.assume_multiple %mul3A_587, 128 : i32
        %dma_start3A = arith.constant 0 : i32
        %dma_start3A_589 = tpu.memref_slice %arg6[%dma_start3A, %multiple_of3A_588] : memref<64x256xf32, #tpu.memory_space<hbm>> -> memref<64x128xf32, #tpu.memory_space<hbm>>
        %dma_start3A_590 = arith.constant 0 : i32
        %dma_start3A_591 = tpu.memref_slice %arg6[%dma_start3A_590, %multiple_of3A_588] : memref<64x256xf32, #tpu.memory_space<hbm>> -> memref<64x128xf32, #tpu.memory_space<hbm>>
        tpu.enqueue_dma source(%dma_start3A_591 : memref<64x128xf32, #tpu.memory_space<hbm>>) target(%arg15 : memref<64x128xf32, #tpu.memory_space<vmem>>) target_semaphore(%arg25 : memref<!tpu.dma_semaphore, #tpu.memory_space<semaphore_mem>>)
      } else {
      }
      %add3A_546 = arith.constant 3 : i32
      %add3A_547 = arith.addi %add3A_279, %add3A_546 : i32
      %dma_wait3A_548 = arith.constant 0 : i32
      %dma_wait3A_549 = arith.constant 0 : i32
      %dma_wait3A_550 = tpu.memref_slice %arg5[%dma_wait3A_548, %dma_wait3A_549] : memref<64x1000000xf32, #tpu.memory_space<hbm>> -> memref<64x128xf32, #tpu.memory_space<hbm>>
      %dma_wait3A_551 = arith.constant 0 : i32
      %dma_wait3A_552 = arith.constant 0 : i32
      %dma_wait3A_553 = tpu.memref_slice %arg5[%dma_wait3A_551, %dma_wait3A_552] : memref<64x1000000xf32, #tpu.memory_space<hbm>> -> memref<64x128xf32, #tpu.memory_space<hbm>>
      tpu.wait_dma2 semaphore(%arg29 : memref<!tpu.dma_semaphore, #tpu.memory_space<semaphore_mem>>) src(%dma_wait3A_553 : memref<64x128xf32, #tpu.memory_space<hbm>>) dst(%arg19 : memref<64x128xf32, #tpu.memory_space<vmem>>)
      %get3A_554 = arith.index_cast %add3A_547 : i32 to index
      %get3A_555 = tpu.vector_load %arg11[%get3A_554] {strides = array<i32>} : memref<144xi32, #tpu.memory_space<vmem>>, vector<16xi32>,
      %slice3A_556 = vector.extract_strided_slice %get3A_555 {offsets = [0], sizes = [1], strides = [1]} : vector<16xi32> to vector<1xi32>
      %squeeze3A_557 = vector.extract %slice3A_556[0] : i32 from vector<1xi32>
      %and3A_558 = arith.constant 127 : i32
      %and3A_559 = arith.andi %squeeze3A_557, %and3A_558 : i32
      %broadcast_in_dim3A_560 = vector.broadcast %and3A_559 : i32 to vector<16xi32>
      %broadcast_in_dim3A_561 = vector.broadcast %add3A_547 : i32 to vector<16xi32>
      %gather3A_562 = tpu.vector_load_idx %arg19[%add3A_5, %broadcast_in_dim3A_560] : memref<64x128xf32, #tpu.memory_space<vmem>>[vector<16xi32>, vector<16xi32>], vector<16xf32>,
      tpu.vector_store_idx %arg21[%add3A_5, %broadcast_in_dim3A_561], %gather3A_562 : memref<64x128xf32, #tpu.memory_space<vmem>>[vector<16xi32>, vector<16xi32>], vector<16xf32>,
      %gather3A_563 = tpu.vector_load_idx %arg19[%add3A_9, %broadcast_in_dim3A_560] : memref<64x128xf32, #tpu.memory_space<vmem>>[vector<16xi32>, vector<16xi32>], vector<16xf32>,
      tpu.vector_store_idx %arg21[%add3A_9, %broadcast_in_dim3A_561], %gather3A_563 : memref<64x128xf32, #tpu.memory_space<vmem>>[vector<16xi32>, vector<16xi32>], vector<16xf32>,
      %gather3A_564 = tpu.vector_load_idx %arg19[%add3A_13, %broadcast_in_dim3A_560] : memref<64x128xf32, #tpu.memory_space<vmem>>[vector<16xi32>, vector<16xi32>], vector<16xf32>,
      tpu.vector_store_idx %arg21[%add3A_13, %broadcast_in_dim3A_561], %gather3A_564 : memref<64x128xf32, #tpu.memory_space<vmem>>[vector<16xi32>, vector<16xi32>], vector<16xf32>,
      %gather3A_565 = tpu.vector_load_idx %arg19[%add3A_17, %broadcast_in_dim3A_560] : memref<64x128xf32, #tpu.memory_space<vmem>>[vector<16xi32>, vector<16xi32>], vector<16xf32>,
      tpu.vector_store_idx %arg21[%add3A_17, %broadcast_in_dim3A_561], %gather3A_565 : memref<64x128xf32, #tpu.memory_space<vmem>>[vector<16xi32>, vector<16xi32>], vector<16xf32>,
      %add3A_566 = arith.constant 3 : i32
      %add3A_567 = arith.addi %add3A_279, %add3A_566 : i32
      %add3A_568 = arith.constant 4 : i32
      %add3A_569 = arith.addi %add3A_567, %add3A_568 : i32
      %get3A_570 = arith.index_cast %add3A_569 : i32 to index
      %get3A_571 = tpu.vector_load %arg11[%get3A_570] {strides = array<i32>} : memref<144xi32, #tpu.memory_space<vmem>>, vector<16xi32>,
      %slice3A_572 = vector.extract_strided_slice %get3A_571 {offsets = [0], sizes = [1], strides = [1]} : vector<16xi32> to vector<1xi32>
      %squeeze3A_573 = vector.extract %slice3A_572[0] : i32 from vector<1xi32>
      %lt3A_574 = arith.constant 999808 : i32
      %lt3A_575 = arith.cmpi slt, %squeeze3A_573, %lt3A_574 : i32
      %convert_element_type3A_576 = arith.extui %lt3A_575 : i1 to i32
      %cond3A_577 = arith.constant 0 : i32
      %cond3A_578 = arith.cmpi ne, %convert_element_type3A_576, %cond3A_577 : i32
      scf.if %cond3A_578 {
        %shift_right_arithmetic3A = arith.constant 7 : i32
        %shift_right_arithmetic3A_584 = arith.shrsi %squeeze3A_573, %shift_right_arithmetic3A : i32
        %mul3A_585 = arith.constant 128 : i32
        %mul3A_586 = arith.muli %shift_right_arithmetic3A_584, %mul3A_585 : i32
        %multiple_of3A_587 = tpu.assume_multiple %mul3A_586, 128 : i32
        %dma_start3A = arith.constant 0 : i32
        %dma_start3A_588 = tpu.memref_slice %arg5[%dma_start3A, %multiple_of3A_587] : memref<64x1000000xf32, #tpu.memory_space<hbm>> -> memref<64x128xf32, #tpu.memory_space<hbm>>
        %dma_start3A_589 = arith.constant 0 : i32
        %dma_start3A_590 = tpu.memref_slice %arg5[%dma_start3A_589, %multiple_of3A_587] : memref<64x1000000xf32, #tpu.memory_space<hbm>> -> memref<64x128xf32, #tpu.memory_space<hbm>>
        tpu.enqueue_dma source(%dma_start3A_590 : memref<64x128xf32, #tpu.memory_space<hbm>>) target(%arg19 : memref<64x128xf32, #tpu.memory_space<vmem>>) target_semaphore(%arg29 : memref<!tpu.dma_semaphore, #tpu.memory_space<semaphore_mem>>)
      } else {
      }
      %ge3A_579 = arith.constant 999808 : i32
      %ge3A_580 = arith.cmpi sge, %squeeze3A_573, %ge3A_579 : i32
      %convert_element_type3A_581 = arith.extui %ge3A_580 : i1 to i32
      %cond3A_582 = arith.constant 0 : i32
      %cond3A_583 = arith.cmpi ne, %convert_element_type3A_581, %cond3A_582 : i32
      scf.if %cond3A_583 {
        %sub3A = arith.constant 999808 : i32
        %sub3A_584 = arith.subi %squeeze3A_573, %sub3A : i32
        %shift_right_arithmetic3A = arith.constant 7 : i32
        %shift_right_arithmetic3A_585 = arith.shrsi %sub3A_584, %shift_right_arithmetic3A : i32
        %mul3A_586 = arith.constant 128 : i32
        %mul3A_587 = arith.muli %shift_right_arithmetic3A_585, %mul3A_586 : i32
        %multiple_of3A_588 = tpu.assume_multiple %mul3A_587, 128 : i32
        %dma_start3A = arith.constant 0 : i32
        %dma_start3A_589 = tpu.memref_slice %arg7[%dma_start3A, %multiple_of3A_588] : memref<64x256xf32, #tpu.memory_space<hbm>> -> memref<64x128xf32, #tpu.memory_space<hbm>>
        %dma_start3A_590 = arith.constant 0 : i32
        %dma_start3A_591 = tpu.memref_slice %arg7[%dma_start3A_590, %multiple_of3A_588] : memref<64x256xf32, #tpu.memory_space<hbm>> -> memref<64x128xf32, #tpu.memory_space<hbm>>
        tpu.enqueue_dma source(%dma_start3A_591 : memref<64x128xf32, #tpu.memory_space<hbm>>) target(%arg19 : memref<64x128xf32, #tpu.memory_space<vmem>>) target_semaphore(%arg29 : memref<!tpu.dma_semaphore, #tpu.memory_space<semaphore_mem>>)
      } else {
      }
    }
    %scan3A_126 = arith.constant 31 : i32
    %dma_wait3A = arith.constant 0 : i32
    %dma_wait3A_127 = arith.constant 0 : i32
    %dma_wait3A_128 = tpu.memref_slice %arg4[%dma_wait3A, %dma_wait3A_127] : memref<64x100000xf32, #tpu.memory_space<hbm>> -> memref<64x128xf32, #tpu.memory_space<hbm>>
    %dma_wait3A_129 = arith.constant 0 : i32
    %dma_wait3A_130 = arith.constant 0 : i32
    %dma_wait3A_131 = tpu.memref_slice %arg4[%dma_wait3A_129, %dma_wait3A_130] : memref<64x100000xf32, #tpu.memory_space<hbm>> -> memref<64x128xf32, #tpu.memory_space<hbm>>
    tpu.wait_dma2 semaphore(%arg22 : memref<!tpu.dma_semaphore, #tpu.memory_space<semaphore_mem>>) src(%dma_wait3A_131 : memref<64x128xf32, #tpu.memory_space<hbm>>) dst(%arg12 : memref<64x128xf32, #tpu.memory_space<vmem>>)
    %get3A_132 = arith.constant 124 : index
    %get3A_133 = tpu.vector_load %arg10[%get3A_132] {strides = array<i32>} : memref<144xi32, #tpu.memory_space<vmem>>, vector<16xi32>,
    %slice3A_134 = vector.extract_strided_slice %get3A_133 {offsets = [0], sizes = [1], strides = [1]} : vector<16xi32> to vector<1xi32>
    %squeeze3A_135 = vector.extract %slice3A_134[0] : i32 from vector<1xi32>
    %and3A = arith.constant 127 : i32
    %and3A_136 = arith.andi %squeeze3A_135, %and3A : i32
    %broadcast_in_dim3A = vector.broadcast %and3A_136 : i32 to vector<16xi32>
    %broadcast_in_dim3A_137 = arith.constant 124 : i32
    %broadcast_in_dim3A_138 = vector.broadcast %broadcast_in_dim3A_137 : i32 to vector<16xi32>
    %gather3A = tpu.vector_load_idx %arg12[%add3A_5, %broadcast_in_dim3A] : memref<64x128xf32, #tpu.memory_space<vmem>>[vector<16xi32>, vector<16xi32>], vector<16xf32>,
    tpu.vector_store_idx %arg20[%add3A_5, %broadcast_in_dim3A_138], %gather3A : memref<64x128xf32, #tpu.memory_space<vmem>>[vector<16xi32>, vector<16xi32>], vector<16xf32>,
    %gather3A_139 = tpu.vector_load_idx %arg12[%add3A_9, %broadcast_in_dim3A] : memref<64x128xf32, #tpu.memory_space<vmem>>[vector<16xi32>, vector<16xi32>], vector<16xf32>,
    tpu.vector_store_idx %arg20[%add3A_9, %broadcast_in_dim3A_138], %gather3A_139 : memref<64x128xf32, #tpu.memory_space<vmem>>[vector<16xi32>, vector<16xi32>], vector<16xf32>,
    %gather3A_140 = tpu.vector_load_idx %arg12[%add3A_13, %broadcast_in_dim3A] : memref<64x128xf32, #tpu.memory_space<vmem>>[vector<16xi32>, vector<16xi32>], vector<16xf32>,
    tpu.vector_store_idx %arg20[%add3A_13, %broadcast_in_dim3A_138], %gather3A_140 : memref<64x128xf32, #tpu.memory_space<vmem>>[vector<16xi32>, vector<16xi32>], vector<16xf32>,
    %gather3A_141 = tpu.vector_load_idx %arg12[%add3A_17, %broadcast_in_dim3A] : memref<64x128xf32, #tpu.memory_space<vmem>>[vector<16xi32>, vector<16xi32>], vector<16xf32>,
    tpu.vector_store_idx %arg20[%add3A_17, %broadcast_in_dim3A_138], %gather3A_141 : memref<64x128xf32, #tpu.memory_space<vmem>>[vector<16xi32>, vector<16xi32>], vector<16xf32>,
    %dma_wait3A_142 = arith.constant 0 : i32
    %dma_wait3A_143 = arith.constant 0 : i32
    %dma_wait3A_144 = tpu.memref_slice %arg5[%dma_wait3A_142, %dma_wait3A_143] : memref<64x1000000xf32, #tpu.memory_space<hbm>> -> memref<64x128xf32, #tpu.memory_space<hbm>>
    %dma_wait3A_145 = arith.constant 0 : i32
    %dma_wait3A_146 = arith.constant 0 : i32
    %dma_wait3A_147 = tpu.memref_slice %arg5[%dma_wait3A_145, %dma_wait3A_146] : memref<64x1000000xf32, #tpu.memory_space<hbm>> -> memref<64x128xf32, #tpu.memory_space<hbm>>
    tpu.wait_dma2 semaphore(%arg26 : memref<!tpu.dma_semaphore, #tpu.memory_space<semaphore_mem>>) src(%dma_wait3A_147 : memref<64x128xf32, #tpu.memory_space<hbm>>) dst(%arg16 : memref<64x128xf32, #tpu.memory_space<vmem>>)
    %get3A_148 = arith.constant 124 : index
    %get3A_149 = tpu.vector_load %arg11[%get3A_148] {strides = array<i32>} : memref<144xi32, #tpu.memory_space<vmem>>, vector<16xi32>,
    %slice3A_150 = vector.extract_strided_slice %get3A_149 {offsets = [0], sizes = [1], strides = [1]} : vector<16xi32> to vector<1xi32>
    %squeeze3A_151 = vector.extract %slice3A_150[0] : i32 from vector<1xi32>
    %and3A_152 = arith.constant 127 : i32
    %and3A_153 = arith.andi %squeeze3A_151, %and3A_152 : i32
    %broadcast_in_dim3A_154 = vector.broadcast %and3A_153 : i32 to vector<16xi32>
    %broadcast_in_dim3A_155 = arith.constant 124 : i32
    %broadcast_in_dim3A_156 = vector.broadcast %broadcast_in_dim3A_155 : i32 to vector<16xi32>
    %gather3A_157 = tpu.vector_load_idx %arg16[%add3A_5, %broadcast_in_dim3A_154] : memref<64x128xf32, #tpu.memory_space<vmem>>[vector<16xi32>, vector<16xi32>], vector<16xf32>,
    tpu.vector_store_idx %arg21[%add3A_5, %broadcast_in_dim3A_156], %gather3A_157 : memref<64x128xf32, #tpu.memory_space<vmem>>[vector<16xi32>, vector<16xi32>], vector<16xf32>,
    %gather3A_158 = tpu.vector_load_idx %arg16[%add3A_9, %broadcast_in_dim3A_154] : memref<64x128xf32, #tpu.memory_space<vmem>>[vector<16xi32>, vector<16xi32>], vector<16xf32>,
    tpu.vector_store_idx %arg21[%add3A_9, %broadcast_in_dim3A_156], %gather3A_158 : memref<64x128xf32, #tpu.memory_space<vmem>>[vector<16xi32>, vector<16xi32>], vector<16xf32>,
    %gather3A_159 = tpu.vector_load_idx %arg16[%add3A_13, %broadcast_in_dim3A_154] : memref<64x128xf32, #tpu.memory_space<vmem>>[vector<16xi32>, vector<16xi32>], vector<16xf32>,
    tpu.vector_store_idx %arg21[%add3A_13, %broadcast_in_dim3A_156], %gather3A_159 : memref<64x128xf32, #tpu.memory_space<vmem>>[vector<16xi32>, vector<16xi32>], vector<16xf32>,
    %gather3A_160 = tpu.vector_load_idx %arg16[%add3A_17, %broadcast_in_dim3A_154] : memref<64x128xf32, #tpu.memory_space<vmem>>[vector<16xi32>, vector<16xi32>], vector<16xf32>,
    tpu.vector_store_idx %arg21[%add3A_17, %broadcast_in_dim3A_156], %gather3A_160 : memref<64x128xf32, #tpu.memory_space<vmem>>[vector<16xi32>, vector<16xi32>], vector<16xf32>,
    %dma_wait3A_161 = arith.constant 0 : i32
    %dma_wait3A_162 = arith.constant 0 : i32
    %dma_wait3A_163 = tpu.memref_slice %arg4[%dma_wait3A_161, %dma_wait3A_162] : memref<64x100000xf32, #tpu.memory_space<hbm>> -> memref<64x128xf32, #tpu.memory_space<hbm>>
    %dma_wait3A_164 = arith.constant 0 : i32
    %dma_wait3A_165 = arith.constant 0 : i32
    %dma_wait3A_166 = tpu.memref_slice %arg4[%dma_wait3A_164, %dma_wait3A_165] : memref<64x100000xf32, #tpu.memory_space<hbm>> -> memref<64x128xf32, #tpu.memory_space<hbm>>
    tpu.wait_dma2 semaphore(%arg23 : memref<!tpu.dma_semaphore, #tpu.memory_space<semaphore_mem>>) src(%dma_wait3A_166 : memref<64x128xf32, #tpu.memory_space<hbm>>) dst(%arg13 : memref<64x128xf32, #tpu.memory_space<vmem>>)
    %get3A_167 = arith.constant 125 : index
    %get3A_168 = tpu.vector_load %arg10[%get3A_167] {strides = array<i32>} : memref<144xi32, #tpu.memory_space<vmem>>, vector<16xi32>,
    %slice3A_169 = vector.extract_strided_slice %get3A_168 {offsets = [0], sizes = [1], strides = [1]} : vector<16xi32> to vector<1xi32>
    %squeeze3A_170 = vector.extract %slice3A_169[0] : i32 from vector<1xi32>
    %and3A_171 = arith.constant 127 : i32
    %and3A_172 = arith.andi %squeeze3A_170, %and3A_171 : i32
    %broadcast_in_dim3A_173 = vector.broadcast %and3A_172 : i32 to vector<16xi32>
    %broadcast_in_dim3A_174 = arith.constant 125 : i32
    %broadcast_in_dim3A_175 = vector.broadcast %broadcast_in_dim3A_174 : i32 to vector<16xi32>
    %gather3A_176 = tpu.vector_load_idx %arg13[%add3A_5, %broadcast_in_dim3A_173] : memref<64x128xf32, #tpu.memory_space<vmem>>[vector<16xi32>, vector<16xi32>], vector<16xf32>,
    tpu.vector_store_idx %arg20[%add3A_5, %broadcast_in_dim3A_175], %gather3A_176 : memref<64x128xf32, #tpu.memory_space<vmem>>[vector<16xi32>, vector<16xi32>], vector<16xf32>,
    %gather3A_177 = tpu.vector_load_idx %arg13[%add3A_9, %broadcast_in_dim3A_173] : memref<64x128xf32, #tpu.memory_space<vmem>>[vector<16xi32>, vector<16xi32>], vector<16xf32>,
    tpu.vector_store_idx %arg20[%add3A_9, %broadcast_in_dim3A_175], %gather3A_177 : memref<64x128xf32, #tpu.memory_space<vmem>>[vector<16xi32>, vector<16xi32>], vector<16xf32>,
    %gather3A_178 = tpu.vector_load_idx %arg13[%add3A_13, %broadcast_in_dim3A_173] : memref<64x128xf32, #tpu.memory_space<vmem>>[vector<16xi32>, vector<16xi32>], vector<16xf32>,
    tpu.vector_store_idx %arg20[%add3A_13, %broadcast_in_dim3A_175], %gather3A_178 : memref<64x128xf32, #tpu.memory_space<vmem>>[vector<16xi32>, vector<16xi32>], vector<16xf32>,
    %gather3A_179 = tpu.vector_load_idx %arg13[%add3A_17, %broadcast_in_dim3A_173] : memref<64x128xf32, #tpu.memory_space<vmem>>[vector<16xi32>, vector<16xi32>], vector<16xf32>,
    tpu.vector_store_idx %arg20[%add3A_17, %broadcast_in_dim3A_175], %gather3A_179 : memref<64x128xf32, #tpu.memory_space<vmem>>[vector<16xi32>, vector<16xi32>], vector<16xf32>,
    %dma_wait3A_180 = arith.constant 0 : i32
    %dma_wait3A_181 = arith.constant 0 : i32
    %dma_wait3A_182 = tpu.memref_slice %arg5[%dma_wait3A_180, %dma_wait3A_181] : memref<64x1000000xf32, #tpu.memory_space<hbm>> -> memref<64x128xf32, #tpu.memory_space<hbm>>
    %dma_wait3A_183 = arith.constant 0 : i32
    %dma_wait3A_184 = arith.constant 0 : i32
    %dma_wait3A_185 = tpu.memref_slice %arg5[%dma_wait3A_183, %dma_wait3A_184] : memref<64x1000000xf32, #tpu.memory_space<hbm>> -> memref<64x128xf32, #tpu.memory_space<hbm>>
    tpu.wait_dma2 semaphore(%arg27 : memref<!tpu.dma_semaphore, #tpu.memory_space<semaphore_mem>>) src(%dma_wait3A_185 : memref<64x128xf32, #tpu.memory_space<hbm>>) dst(%arg17 : memref<64x128xf32, #tpu.memory_space<vmem>>)
    %get3A_186 = arith.constant 125 : index
    %get3A_187 = tpu.vector_load %arg11[%get3A_186] {strides = array<i32>} : memref<144xi32, #tpu.memory_space<vmem>>, vector<16xi32>,
    %slice3A_188 = vector.extract_strided_slice %get3A_187 {offsets = [0], sizes = [1], strides = [1]} : vector<16xi32> to vector<1xi32>
    %squeeze3A_189 = vector.extract %slice3A_188[0] : i32 from vector<1xi32>
    %and3A_190 = arith.constant 127 : i32
    %and3A_191 = arith.andi %squeeze3A_189, %and3A_190 : i32
    %broadcast_in_dim3A_192 = vector.broadcast %and3A_191 : i32 to vector<16xi32>
    %broadcast_in_dim3A_193 = arith.constant 125 : i32
    %broadcast_in_dim3A_194 = vector.broadcast %broadcast_in_dim3A_193 : i32 to vector<16xi32>
    %gather3A_195 = tpu.vector_load_idx %arg17[%add3A_5, %broadcast_in_dim3A_192] : memref<64x128xf32, #tpu.memory_space<vmem>>[vector<16xi32>, vector<16xi32>], vector<16xf32>,
    tpu.vector_store_idx %arg21[%add3A_5, %broadcast_in_dim3A_194], %gather3A_195 : memref<64x128xf32, #tpu.memory_space<vmem>>[vector<16xi32>, vector<16xi32>], vector<16xf32>,
    %gather3A_196 = tpu.vector_load_idx %arg17[%add3A_9, %broadcast_in_dim3A_192] : memref<64x128xf32, #tpu.memory_space<vmem>>[vector<16xi32>, vector<16xi32>], vector<16xf32>,
    tpu.vector_store_idx %arg21[%add3A_9, %broadcast_in_dim3A_194], %gather3A_196 : memref<64x128xf32, #tpu.memory_space<vmem>>[vector<16xi32>, vector<16xi32>], vector<16xf32>,
    %gather3A_197 = tpu.vector_load_idx %arg17[%add3A_13, %broadcast_in_dim3A_192] : memref<64x128xf32, #tpu.memory_space<vmem>>[vector<16xi32>, vector<16xi32>], vector<16xf32>,
    tpu.vector_store_idx %arg21[%add3A_13, %broadcast_in_dim3A_194], %gather3A_197 : memref<64x128xf32, #tpu.memory_space<vmem>>[vector<16xi32>, vector<16xi32>], vector<16xf32>,
    %gather3A_198 = tpu.vector_load_idx %arg17[%add3A_17, %broadcast_in_dim3A_192] : memref<64x128xf32, #tpu.memory_space<vmem>>[vector<16xi32>, vector<16xi32>], vector<16xf32>,
    tpu.vector_store_idx %arg21[%add3A_17, %broadcast_in_dim3A_194], %gather3A_198 : memref<64x128xf32, #tpu.memory_space<vmem>>[vector<16xi32>, vector<16xi32>], vector<16xf32>,
    %dma_wait3A_199 = arith.constant 0 : i32
    %dma_wait3A_200 = arith.constant 0 : i32
    %dma_wait3A_201 = tpu.memref_slice %arg4[%dma_wait3A_199, %dma_wait3A_200] : memref<64x100000xf32, #tpu.memory_space<hbm>> -> memref<64x128xf32, #tpu.memory_space<hbm>>
    %dma_wait3A_202 = arith.constant 0 : i32
    %dma_wait3A_203 = arith.constant 0 : i32
    %dma_wait3A_204 = tpu.memref_slice %arg4[%dma_wait3A_202, %dma_wait3A_203] : memref<64x100000xf32, #tpu.memory_space<hbm>> -> memref<64x128xf32, #tpu.memory_space<hbm>>
    tpu.wait_dma2 semaphore(%arg24 : memref<!tpu.dma_semaphore, #tpu.memory_space<semaphore_mem>>) src(%dma_wait3A_204 : memref<64x128xf32, #tpu.memory_space<hbm>>) dst(%arg14 : memref<64x128xf32, #tpu.memory_space<vmem>>)
    %get3A_205 = arith.constant 126 : index
    %get3A_206 = tpu.vector_load %arg10[%get3A_205] {strides = array<i32>} : memref<144xi32, #tpu.memory_space<vmem>>, vector<16xi32>,
    %slice3A_207 = vector.extract_strided_slice %get3A_206 {offsets = [0], sizes = [1], strides = [1]} : vector<16xi32> to vector<1xi32>
    %squeeze3A_208 = vector.extract %slice3A_207[0] : i32 from vector<1xi32>
    %and3A_209 = arith.constant 127 : i32
    %and3A_210 = arith.andi %squeeze3A_208, %and3A_209 : i32
    %broadcast_in_dim3A_211 = vector.broadcast %and3A_210 : i32 to vector<16xi32>
    %broadcast_in_dim3A_212 = arith.constant 126 : i32
    %broadcast_in_dim3A_213 = vector.broadcast %broadcast_in_dim3A_212 : i32 to vector<16xi32>
    %gather3A_214 = tpu.vector_load_idx %arg14[%add3A_5, %broadcast_in_dim3A_211] : memref<64x128xf32, #tpu.memory_space<vmem>>[vector<16xi32>, vector<16xi32>], vector<16xf32>,
    tpu.vector_store_idx %arg20[%add3A_5, %broadcast_in_dim3A_213], %gather3A_214 : memref<64x128xf32, #tpu.memory_space<vmem>>[vector<16xi32>, vector<16xi32>], vector<16xf32>,
    %gather3A_215 = tpu.vector_load_idx %arg14[%add3A_9, %broadcast_in_dim3A_211] : memref<64x128xf32, #tpu.memory_space<vmem>>[vector<16xi32>, vector<16xi32>], vector<16xf32>,
    tpu.vector_store_idx %arg20[%add3A_9, %broadcast_in_dim3A_213], %gather3A_215 : memref<64x128xf32, #tpu.memory_space<vmem>>[vector<16xi32>, vector<16xi32>], vector<16xf32>,
    %gather3A_216 = tpu.vector_load_idx %arg14[%add3A_13, %broadcast_in_dim3A_211] : memref<64x128xf32, #tpu.memory_space<vmem>>[vector<16xi32>, vector<16xi32>], vector<16xf32>,
    tpu.vector_store_idx %arg20[%add3A_13, %broadcast_in_dim3A_213], %gather3A_216 : memref<64x128xf32, #tpu.memory_space<vmem>>[vector<16xi32>, vector<16xi32>], vector<16xf32>,
    %gather3A_217 = tpu.vector_load_idx %arg14[%add3A_17, %broadcast_in_dim3A_211] : memref<64x128xf32, #tpu.memory_space<vmem>>[vector<16xi32>, vector<16xi32>], vector<16xf32>,
    tpu.vector_store_idx %arg20[%add3A_17, %broadcast_in_dim3A_213], %gather3A_217 : memref<64x128xf32, #tpu.memory_space<vmem>>[vector<16xi32>, vector<16xi32>], vector<16xf32>,
    %dma_wait3A_218 = arith.constant 0 : i32
    %dma_wait3A_219 = arith.constant 0 : i32
    %dma_wait3A_220 = tpu.memref_slice %arg5[%dma_wait3A_218, %dma_wait3A_219] : memref<64x1000000xf32, #tpu.memory_space<hbm>> -> memref<64x128xf32, #tpu.memory_space<hbm>>
    %dma_wait3A_221 = arith.constant 0 : i32
    %dma_wait3A_222 = arith.constant 0 : i32
    %dma_wait3A_223 = tpu.memref_slice %arg5[%dma_wait3A_221, %dma_wait3A_222] : memref<64x1000000xf32, #tpu.memory_space<hbm>> -> memref<64x128xf32, #tpu.memory_space<hbm>>
    tpu.wait_dma2 semaphore(%arg28 : memref<!tpu.dma_semaphore, #tpu.memory_space<semaphore_mem>>) src(%dma_wait3A_223 : memref<64x128xf32, #tpu.memory_space<hbm>>) dst(%arg18 : memref<64x128xf32, #tpu.memory_space<vmem>>)
    %get3A_224 = arith.constant 126 : index
    %get3A_225 = tpu.vector_load %arg11[%get3A_224] {strides = array<i32>} : memref<144xi32, #tpu.memory_space<vmem>>, vector<16xi32>,
    %slice3A_226 = vector.extract_strided_slice %get3A_225 {offsets = [0], sizes = [1], strides = [1]} : vector<16xi32> to vector<1xi32>
    %squeeze3A_227 = vector.extract %slice3A_226[0] : i32 from vector<1xi32>
    %and3A_228 = arith.constant 127 : i32
    %and3A_229 = arith.andi %squeeze3A_227, %and3A_228 : i32
    %broadcast_in_dim3A_230 = vector.broadcast %and3A_229 : i32 to vector<16xi32>
    %broadcast_in_dim3A_231 = arith.constant 126 : i32
    %broadcast_in_dim3A_232 = vector.broadcast %broadcast_in_dim3A_231 : i32 to vector<16xi32>
    %gather3A_233 = tpu.vector_load_idx %arg18[%add3A_5, %broadcast_in_dim3A_230] : memref<64x128xf32, #tpu.memory_space<vmem>>[vector<16xi32>, vector<16xi32>], vector<16xf32>,
    tpu.vector_store_idx %arg21[%add3A_5, %broadcast_in_dim3A_232], %gather3A_233 : memref<64x128xf32, #tpu.memory_space<vmem>>[vector<16xi32>, vector<16xi32>], vector<16xf32>,
    %gather3A_234 = tpu.vector_load_idx %arg18[%add3A_9, %broadcast_in_dim3A_230] : memref<64x128xf32, #tpu.memory_space<vmem>>[vector<16xi32>, vector<16xi32>], vector<16xf32>,
    tpu.vector_store_idx %arg21[%add3A_9, %broadcast_in_dim3A_232], %gather3A_234 : memref<64x128xf32, #tpu.memory_space<vmem>>[vector<16xi32>, vector<16xi32>], vector<16xf32>,
    %gather3A_235 = tpu.vector_load_idx %arg18[%add3A_13, %broadcast_in_dim3A_230] : memref<64x128xf32, #tpu.memory_space<vmem>>[vector<16xi32>, vector<16xi32>], vector<16xf32>,
    tpu.vector_store_idx %arg21[%add3A_13, %broadcast_in_dim3A_232], %gather3A_235 : memref<64x128xf32, #tpu.memory_space<vmem>>[vector<16xi32>, vector<16xi32>], vector<16xf32>,
    %gather3A_236 = tpu.vector_load_idx %arg18[%add3A_17, %broadcast_in_dim3A_230] : memref<64x128xf32, #tpu.memory_space<vmem>>[vector<16xi32>, vector<16xi32>], vector<16xf32>,
    tpu.vector_store_idx %arg21[%add3A_17, %broadcast_in_dim3A_232], %gather3A_236 : memref<64x128xf32, #tpu.memory_space<vmem>>[vector<16xi32>, vector<16xi32>], vector<16xf32>,
    %dma_wait3A_237 = arith.constant 0 : i32
    %dma_wait3A_238 = arith.constant 0 : i32
    %dma_wait3A_239 = tpu.memref_slice %arg4[%dma_wait3A_237, %dma_wait3A_238] : memref<64x100000xf32, #tpu.memory_space<hbm>> -> memref<64x128xf32, #tpu.memory_space<hbm>>
    %dma_wait3A_240 = arith.constant 0 : i32
    %dma_wait3A_241 = arith.constant 0 : i32
    %dma_wait3A_242 = tpu.memref_slice %arg4[%dma_wait3A_240, %dma_wait3A_241] : memref<64x100000xf32, #tpu.memory_space<hbm>> -> memref<64x128xf32, #tpu.memory_space<hbm>>
    tpu.wait_dma2 semaphore(%arg25 : memref<!tpu.dma_semaphore, #tpu.memory_space<semaphore_mem>>) src(%dma_wait3A_242 : memref<64x128xf32, #tpu.memory_space<hbm>>) dst(%arg15 : memref<64x128xf32, #tpu.memory_space<vmem>>)
    %get3A_243 = arith.constant 127 : index
    %get3A_244 = tpu.vector_load %arg10[%get3A_243] {strides = array<i32>} : memref<144xi32, #tpu.memory_space<vmem>>, vector<16xi32>,
    %slice3A_245 = vector.extract_strided_slice %get3A_244 {offsets = [0], sizes = [1], strides = [1]} : vector<16xi32> to vector<1xi32>
    %squeeze3A_246 = vector.extract %slice3A_245[0] : i32 from vector<1xi32>
    %and3A_247 = arith.constant 127 : i32
    %and3A_248 = arith.andi %squeeze3A_246, %and3A_247 : i32
    %broadcast_in_dim3A_249 = vector.broadcast %and3A_248 : i32 to vector<16xi32>
    %broadcast_in_dim3A_250 = arith.constant 127 : i32
    %broadcast_in_dim3A_251 = vector.broadcast %broadcast_in_dim3A_250 : i32 to vector<16xi32>
    %gather3A_252 = tpu.vector_load_idx %arg15[%add3A_5, %broadcast_in_dim3A_249] : memref<64x128xf32, #tpu.memory_space<vmem>>[vector<16xi32>, vector<16xi32>], vector<16xf32>,
    tpu.vector_store_idx %arg20[%add3A_5, %broadcast_in_dim3A_251], %gather3A_252 : memref<64x128xf32, #tpu.memory_space<vmem>>[vector<16xi32>, vector<16xi32>], vector<16xf32>,
    %gather3A_253 = tpu.vector_load_idx %arg15[%add3A_9, %broadcast_in_dim3A_249] : memref<64x128xf32, #tpu.memory_space<vmem>>[vector<16xi32>, vector<16xi32>], vector<16xf32>,
    tpu.vector_store_idx %arg20[%add3A_9, %broadcast_in_dim3A_251], %gather3A_253 : memref<64x128xf32, #tpu.memory_space<vmem>>[vector<16xi32>, vector<16xi32>], vector<16xf32>,
    %gather3A_254 = tpu.vector_load_idx %arg15[%add3A_13, %broadcast_in_dim3A_249] : memref<64x128xf32, #tpu.memory_space<vmem>>[vector<16xi32>, vector<16xi32>], vector<16xf32>,
    tpu.vector_store_idx %arg20[%add3A_13, %broadcast_in_dim3A_251], %gather3A_254 : memref<64x128xf32, #tpu.memory_space<vmem>>[vector<16xi32>, vector<16xi32>], vector<16xf32>,
    %gather3A_255 = tpu.vector_load_idx %arg15[%add3A_17, %broadcast_in_dim3A_249] : memref<64x128xf32, #tpu.memory_space<vmem>>[vector<16xi32>, vector<16xi32>], vector<16xf32>,
    tpu.vector_store_idx %arg20[%add3A_17, %broadcast_in_dim3A_251], %gather3A_255 : memref<64x128xf32, #tpu.memory_space<vmem>>[vector<16xi32>, vector<16xi32>], vector<16xf32>,
    %dma_wait3A_256 = arith.constant 0 : i32
    %dma_wait3A_257 = arith.constant 0 : i32
    %dma_wait3A_258 = tpu.memref_slice %arg5[%dma_wait3A_256, %dma_wait3A_257] : memref<64x1000000xf32, #tpu.memory_space<hbm>> -> memref<64x128xf32, #tpu.memory_space<hbm>>
    %dma_wait3A_259 = arith.constant 0 : i32
    %dma_wait3A_260 = arith.constant 0 : i32
    %dma_wait3A_261 = tpu.memref_slice %arg5[%dma_wait3A_259, %dma_wait3A_260] : memref<64x1000000xf32, #tpu.memory_space<hbm>> -> memref<64x128xf32, #tpu.memory_space<hbm>>
    tpu.wait_dma2 semaphore(%arg29 : memref<!tpu.dma_semaphore, #tpu.memory_space<semaphore_mem>>) src(%dma_wait3A_261 : memref<64x128xf32, #tpu.memory_space<hbm>>) dst(%arg19 : memref<64x128xf32, #tpu.memory_space<vmem>>)
    %get3A_262 = arith.constant 127 : index
    %get3A_263 = tpu.vector_load %arg11[%get3A_262] {strides = array<i32>} : memref<144xi32, #tpu.memory_space<vmem>>, vector<16xi32>,
    %slice3A_264 = vector.extract_strided_slice %get3A_263 {offsets = [0], sizes = [1], strides = [1]} : vector<16xi32> to vector<1xi32>
    %squeeze3A_265 = vector.extract %slice3A_264[0] : i32 from vector<1xi32>
    %and3A_266 = arith.constant 127 : i32
    %and3A_267 = arith.andi %squeeze3A_265, %and3A_266 : i32
    %broadcast_in_dim3A_268 = vector.broadcast %and3A_267 : i32 to vector<16xi32>
    %broadcast_in_dim3A_269 = arith.constant 127 : i32
    %broadcast_in_dim3A_270 = vector.broadcast %broadcast_in_dim3A_269 : i32 to vector<16xi32>
    %gather3A_271 = tpu.vector_load_idx %arg19[%add3A_5, %broadcast_in_dim3A_268] : memref<64x128xf32, #tpu.memory_space<vmem>>[vector<16xi32>, vector<16xi32>], vector<16xf32>,
    tpu.vector_store_idx %arg21[%add3A_5, %broadcast_in_dim3A_270], %gather3A_271 : memref<64x128xf32, #tpu.memory_space<vmem>>[vector<16xi32>, vector<16xi32>], vector<16xf32>,
    %gather3A_272 = tpu.vector_load_idx %arg19[%add3A_9, %broadcast_in_dim3A_268] : memref<64x128xf32, #tpu.memory_space<vmem>>[vector<16xi32>, vector<16xi32>], vector<16xf32>,
    tpu.vector_store_idx %arg21[%add3A_9, %broadcast_in_dim3A_270], %gather3A_272 : memref<64x128xf32, #tpu.memory_space<vmem>>[vector<16xi32>, vector<16xi32>], vector<16xf32>,
    %gather3A_273 = tpu.vector_load_idx %arg19[%add3A_13, %broadcast_in_dim3A_268] : memref<64x128xf32, #tpu.memory_space<vmem>>[vector<16xi32>, vector<16xi32>], vector<16xf32>,
    tpu.vector_store_idx %arg21[%add3A_13, %broadcast_in_dim3A_270], %gather3A_273 : memref<64x128xf32, #tpu.memory_space<vmem>>[vector<16xi32>, vector<16xi32>], vector<16xf32>,
    %gather3A_274 = tpu.vector_load_idx %arg19[%add3A_17, %broadcast_in_dim3A_268] : memref<64x128xf32, #tpu.memory_space<vmem>>[vector<16xi32>, vector<16xi32>], vector<16xf32>,
    tpu.vector_store_idx %arg21[%add3A_17, %broadcast_in_dim3A_270], %gather3A_274 : memref<64x128xf32, #tpu.memory_space<vmem>>[vector<16xi32>, vector<16xi32>], vector<16xf32>,
    "tpu.region"() ({
      %run_scoped3A = tpu.sem_alloc : memref<!tpu.dma_semaphore, #tpu.memory_space<semaphore_mem>>
      %dma_start3A = arith.constant 0 : i32
      %dma_start3A_275 = tpu.memref_slice %arg8[%dma_start3A, %multiple_of3A] : memref<64x4096xf32, #tpu.memory_space<hbm>> -> memref<64x128xf32, #tpu.memory_space<hbm>>
      %dma_start3A_276 = arith.constant 0 : i32
      %dma_start3A_277 = tpu.memref_slice %arg8[%dma_start3A_276, %multiple_of3A] : memref<64x4096xf32, #tpu.memory_space<hbm>> -> memref<64x128xf32, #tpu.memory_space<hbm>>
      tpu.enqueue_dma source(%arg20 : memref<64x128xf32, #tpu.memory_space<vmem>>) target(%dma_start3A_277 : memref<64x128xf32, #tpu.memory_space<hbm>>) target_semaphore(%run_scoped3A : memref<!tpu.dma_semaphore, #tpu.memory_space<semaphore_mem>>)
      %dma_wait3A_278 = arith.constant 0 : i32
      %dma_wait3A_279 = tpu.memref_slice %arg8[%dma_wait3A_278, %multiple_of3A] : memref<64x4096xf32, #tpu.memory_space<hbm>> -> memref<64x128xf32, #tpu.memory_space<hbm>>
      %dma_wait3A_280 = arith.constant 0 : i32
      %dma_wait3A_281 = tpu.memref_slice %arg8[%dma_wait3A_280, %multiple_of3A] : memref<64x4096xf32, #tpu.memory_space<hbm>> -> memref<64x128xf32, #tpu.memory_space<hbm>>
      tpu.wait_dma2 semaphore(%run_scoped3A : memref<!tpu.dma_semaphore, #tpu.memory_space<semaphore_mem>>) src(%arg20 : memref<64x128xf32, #tpu.memory_space<vmem>>) dst(%dma_wait3A_281 : memref<64x128xf32, #tpu.memory_space<hbm>>)
      tpu.yield
    }) : () -> ()
    "tpu.region"() ({
      %run_scoped3A = tpu.sem_alloc : memref<!tpu.dma_semaphore, #tpu.memory_space<semaphore_mem>>
      %dma_start3A = arith.constant 0 : i32
      %dma_start3A_275 = tpu.memref_slice %arg9[%dma_start3A, %multiple_of3A] : memref<64x4096xf32, #tpu.memory_space<hbm>> -> memref<64x128xf32, #tpu.memory_space<hbm>>
      %dma_start3A_276 = arith.constant 0 : i32
      %dma_start3A_277 = tpu.memref_slice %arg9[%dma_start3A_276, %multiple_of3A] : memref<64x4096xf32, #tpu.memory_space<hbm>> -> memref<64x128xf32, #tpu.memory_space<hbm>>
      tpu.enqueue_dma source(%arg21 : memref<64x128xf32, #tpu.memory_space<vmem>>) target(%dma_start3A_277 : memref<64x128xf32, #tpu.memory_space<hbm>>) target_semaphore(%run_scoped3A : memref<!tpu.dma_semaphore, #tpu.memory_space<semaphore_mem>>)
      %dma_wait3A_278 = arith.constant 0 : i32
      %dma_wait3A_279 = tpu.memref_slice %arg9[%dma_wait3A_278, %multiple_of3A] : memref<64x4096xf32, #tpu.memory_space<hbm>> -> memref<64x128xf32, #tpu.memory_space<hbm>>
      %dma_wait3A_280 = arith.constant 0 : i32
      %dma_wait3A_281 = tpu.memref_slice %arg9[%dma_wait3A_280, %multiple_of3A] : memref<64x4096xf32, #tpu.memory_space<hbm>> -> memref<64x128xf32, #tpu.memory_space<hbm>>
      tpu.wait_dma2 semaphore(%run_scoped3A : memref<!tpu.dma_semaphore, #tpu.memory_space<semaphore_mem>>) src(%arg21 : memref<64x128xf32, #tpu.memory_space<vmem>>) dst(%dma_wait3A_281 : memref<64x128xf32, #tpu.memory_space<hbm>>)
      tpu.yield
    }) : () -> ()
    return
  }
}

module attributes {stable_mosaic.version = 14 : i64} {
  func.func @_k_body(%arg0: i32, %arg1: memref<1x1x4096xi32, #tpu.memory_space<vmem>>, %arg2: memref<64x200xf32, #tpu.memory_space<vmem>>, %arg3: memref<1x64x4096xf32, #tpu.memory_space<vmem>>) attributes {dimension_semantics = [#tpu.dimension_semantics<arbitrary>], iteration_bounds = array<i64: 50>, scalar_prefetch = 0 : i64, scratch_operands = 0 : i64, tpu.core_type = #tpu.core_type<tc>, window_params = [{transform_indices = @transform_0, window_bounds = array<i64: 1, 1, 4096>}, {pipeline_mode = #tpu.pipeline_mode<synchronous>, transform_indices = @transform_1, window_bounds = array<i64: 64, 200>}, {transform_indices = @transform_2, window_bounds = array<i64: 1, 64, 4096>}]} {
    %get3A = arith.constant 0 : index
    %get3A_0 = arith.constant 0 : index
    %get3A_1 = arith.constant 0 : index
    %get3A_2 = vector.load %arg1[%get3A, %get3A_0, %get3A_1] : memref<1x1x4096xi32, #tpu.memory_space<vmem>>, vector<1x1x4096xi32>
    %get3A_3 = vector.shape_cast %get3A_2 : vector<1x1x4096xi32> to vector<4096xi32>
    %iota3A = tpu.iota {dimensions = array<i32: 0>} : vector<200x4096xi32>
    %broadcast_in_dim3A = vector.shape_cast %get3A_3 : vector<4096xi32> to vector<1x4096xi32>
    %eq3A = vector.broadcast %broadcast_in_dim3A : vector<1x4096xi32> to vector<200x4096xi32>
    %eq3A_4 = arith.cmpi eq, %iota3A, %eq3A : vector<200x4096xi32>
    %jit3A = arith.constant 1.000000e+00 : f32
    %jit3A_5 = arith.constant 0.000000e+00 : f32
    %broadcast_in_dim3A_6 = vector.broadcast %jit3A : f32 to vector<200x4096xf32>
    %broadcast_in_dim3A_7 = vector.broadcast %jit3A_5 : f32 to vector<200x4096xf32>
    %select_n3A = arith.select %eq3A_4, %broadcast_in_dim3A_6, %broadcast_in_dim3A_7 : vector<200x4096xi1>, vector<200x4096xf32>
    %get3A_8 = arith.constant 0 : index
    %get3A_9 = arith.constant 0 : index
    %get3A_10 = vector.load %arg2[%get3A_8, %get3A_9] : memref<64x200xf32, #tpu.memory_space<vmem>>, vector<64x200xf32>
    %dot_general3A = arith.constant dense<0.000000e+00> : vector<64x4096xf32>
    %dot_general3A_11 = tpu.matmul %get3A_10, %select_n3A, %dot_general3A {dimension_numbers = #tpu.dot_dimension_numbers<[1], [0], [0], [1], [0, 0, 1, 1], [], []>, precision = #tpu.contract_precision<fp32>, transpose_lhs_hint = false} : vector<64x200xf32>, vector<200x4096xf32>, vector<64x4096xf32> -> vector<64x4096xf32>
    %swap3A = arith.constant 0 : index
    %swap3A_12 = arith.constant 0 : index
    %swap3A_13 = arith.constant 0 : index
    %swap3A_14 = vector.load %arg3[%swap3A, %swap3A_12, %swap3A_13] : memref<1x64x4096xf32, #tpu.memory_space<vmem>>, vector<1x64x4096xf32>
    %swap3A_15 = vector.shape_cast %swap3A_14 : vector<1x64x4096xf32> to vector<64x4096xf32>
    %swap3A_16 = vector.shape_cast %dot_general3A_11 : vector<64x4096xf32> to vector<1x64x4096xf32>
    tpu.vector_store %arg3[%swap3A, %swap3A_12, %swap3A_13], %swap3A_16 {strides = array<i32>} : memref<1x64x4096xf32, #tpu.memory_space<vmem>>, vector<1x64x4096xf32>,
    return
  }
  func.func @transform_0(%arg0: i32) -> (i32, i32, i32) {
    %c0_i32 = arith.constant 0 : i32
    %c0_i32_0 = arith.constant 0 : i32
    %c0_i32_1 = arith.constant 0 : i32
    return %arg0, %c0_i32, %c0_i32_0 : i32, i32, i32
  }
  func.func @transform_1(%arg0: i32) -> (i32, i32) {
    %c0_i32 = arith.constant 0 : i32
    %c0_i32_0 = arith.constant 0 : i32
    %c0_i32_1 = arith.constant 0 : i32
    return %c0_i32, %c0_i32_0 : i32, i32
  }
  func.func @transform_2(%arg0: i32) -> (i32, i32, i32) {
    %c0_i32 = arith.constant 0 : i32
    %c0_i32_0 = arith.constant 0 : i32
    %c0_i32_1 = arith.constant 0 : i32
    return %arg0, %c0_i32, %c0_i32_0 : i32, i32, i32
  }
}

</mosaic_0001>

<sc_bundles>
// kernel: kernel.4.cloned.1.call-start
scs
__scs_entry_jumppad:
0x0: {  	(pc) =	sbr.rel $0x88, $3  }
0x1: {  	(tag) =	ssettag $0x0;
	lr =	simm.s32 $0x1  }
0x2: {  	[smem:$0x3F9B] =	sst lr;
	_ =	strace $0xD0000000  }
0x3: {  	_ = 	snop  }
0x4: {  	_ = 	snop  }
0x5: {  	_ = 	snop  }
0x6: {  	_ = 	snop  }
0x7: {  	_ = 	snop  }
__scs_overlays_trampoline_lowered:
0x8: {  	[smem:$0x3FAA] =	sst s0  }
0x9: {  	[smem:$0x3FAB] =	sst s1  }
0xa: {  	[smem:$0x3FAC] =	sst s2  }
0xb: {  	[smem:$0x3FAD] =	sst s3  }
0xc: {  	[smem:$0x3FAE] =	sst s4  }
0xd: {  	[smem:$0x3FAF] =	sst s5  }
0xe: {  	[smem:$0x3FB0] =	sst s6  }
0xf: {  	[smem:$0x3FB1] =	sst s7  }
0x10: {  	[smem:$0x3FB2] =	sst s8  }
0x11: {  	[smem:$0x3FB3] =	sst s9;
	s0 =	simm.s32 @!p0 $0x0  }
0x12: {  	s1 =	sld [smem:$0x3F99];
	s0 =	simm.s32 @p0 $0x1  }
0x13: {  	[smem:$0x3FB4] =	sst s0;
	s0 =	simm.s32 @!p1 $0x0  }
0x14: {  	s2 =	sld [smem:$0x3F98];
	s0 =	simm.s32 @p1 $0x1  }
0x15: {  	[smem:$0x3FB5] =	sst s0;
	s0 =	simm.s32 @!p2 $0x0  }
0x16: {  	s3 =	sld [smem:$0x3FDB];
	s0 =	simm.s32 @p2 $0x1  }
0x17: {  	s4 =	simm.s32 $0x1BF5;
	[smem:$0x3FB7] =	sst s0  }
0x18: {  	s0 =	sld [smem:$0x3F9A];
	_ =	swait.ge [sflag:s4], $0x0  }
0x19: {  	s7 =	sld [smem:$0x3F9B]  }
0x1a: {  	s8 =	sadd.s32 $0xFFFFE003, lr  }
0x1b: {  	s9 =	sadd.s32 $0xFFFFFEF7, lr;
	s5 =	simm.s32 $0xFFFFFFFF;
	p2 =	slt.u32 s8, $0xFFFFF086  }
0x1c: {  	p1 =	slt.u32 s9, $0xF7A;
	s5 =	simm.s32 @!p2 $0x0  }
0x1d: {  	s5 =	simm.s32 @p1 $0x1;
	p0 =	seq.s32 s7, s2  }
0x1e: {  	s7 =	smul.u32 @!p0 $0xF7A, s2;
	p2 =	seq.s32 @!p0 s5, $0x0  }
0x1f: {  	s9 =	smul.u32 $0xF7A, s1;
	s8 =	simm.s32 @!p0 $0x1BF5;
	p2 =	por !p2, p0  }
0x20: {  	[sflag:s8] =	ssyncset.s32 @!p0 $0xFFFFF086;
	s6 =	sadd.s32 @!p0 s3, s7;
	s7 =	simm.s32 @!p0 $0x108  }
0x21: {  	s3 =	sadd.s32 s3, s9;
	s6 =	sadd.s32 @!p0 $0x88, s6;
	s7 =	simm.s32 @p2 $0x1082  }
0x22: {  	[simem:s7], [sflag:s8] =	dma.local @!p0 [hbm:s6], $0xF7A  }
0x23: {  	s9 =	sor.u32 $0xD0000000, s2;
	s6 =	simm.s32 $0x108;
	_ =	swait.ge @!p0 [sflag:s8], $0x0  }
0x24: {  	s3 =	sadd.s32 $0x88, s3;
	s6 =	simm.s32 @!p1 $0x1082;
	[sflag:s4] =	ssyncset.s32 $0xFFFFF086  }
0x25: {  	[simem:s6], [sflag:s4] =	dma.local [hbm:s3], $0xF7A  }
0x26: {  	[smem:$0x3F9B] =	sst s1;
	(tag) =	ssettag s2;
	_ =	strace s9  }
0x27: {  	s1 =	sld [smem:$0x3FAB]  }
0x28: {  	s2 =	sld [smem:$0x3FAC]  }
0x29: {  	s4 =	sld [smem:$0x3FAE]  }
0x2a: {  	p0 =	seq.s32 s5, $0x0;
	s5 =	sld [smem:$0x3FAF]  }
0x2b: {  	s6 =	sld [smem:$0x3FB0]  }
0x2c: {  	s7 =	sld [smem:$0x3FB1]  }
0x2d: {  	s3 =	simm.s32 $0x108;
	s8 =	sld [smem:$0x3FB2]  }
0x2e: {  	s3 =	simm.s32 @!p0 $0x1082;
	s9 =	sld [smem:$0x3FB3]  }
0x2f: {  	lr =	sadd.s32 s0, s3;
	s0 =	sld [smem:$0x3FAA]  }
0x30: {  	s3 =	sld [smem:$0x3FAD]  }
0x31: {  	[smem:$0x3FB6] =	sst s10  }
0x32: {  	s10 =	sld [smem:$0x3FB4];
	_ =	sdelay $0x3  }
0x33: {  	p0 =	seq.s32 s10, $0x1;
	s10 =	sld [smem:$0x3FB6];
	_ =	sdelay $0x3  }
0x34: {  	[smem:$0x3FB6] =	sst s10  }
0x35: {  	s10 =	sld [smem:$0x3FB5];
	_ =	sdelay $0x3  }
0x36: {  	p1 =	seq.s32 s10, $0x1;
	s10 =	sld [smem:$0x3FB6];
	_ =	sdelay $0x3  }
0x37: {  	[smem:$0x3FB6] =	sst s10  }
0x38: {  	s10 =	sld [smem:$0x3FB7]  }
0x39: {  	_ = 	snop;
	(pc) =	sbr.ind lr, $3  }
0x3a: {  	_ = 	snop  }
0x3b: {  	_ = 	snop  }
0x3c: {  	p2 =	seq.s32 s10, $0x1;
	s10 =	sld [smem:$0x3FB6]  }
0x3d: {  	_ =	shalt  }
0x3e: {  	_ =	shalt  }
0x3f: {  	_ =	shalt  }
0x40: {  	_ =	shalt  }
0x41: {  	_ =	shalt  }
0x42: {  	_ =	shalt  }
0x43: {  	_ =	shalt  }
0x44: {  	_ =	shalt  }
0x45: {  	_ =	shalt  }
0x46: {  	_ =	shalt  }
0x47: {  	_ =	shalt  }
0x48: {  	_ =	shalt  }
0x49: {  	_ =	shalt  }
0x4a: {  	_ =	shalt  }
0x4b: {  	_ =	shalt  }
0x4c: {  	_ =	shalt  }
0x4d: {  	_ =	shalt  }
0x4e: {  	_ =	shalt  }
0x4f: {  	_ =	shalt  }
0x50: {  	_ =	shalt  }
0x51: {  	_ =	shalt  }
0x52: {  	_ =	shalt  }
0x53: {  	_ =	shalt  }
0x54: {  	_ =	shalt  }
0x55: {  	_ =	shalt  }
0x56: {  	_ =	shalt  }
0x57: {  	_ =	shalt  }
0x58: {  	_ =	shalt  }
0x59: {  	_ =	shalt  }
0x5a: {  	_ =	shalt  }
0x5b: {  	_ =	shalt  }
0x5c: {  	_ =	shalt  }
0x5d: {  	_ =	shalt  }
0x5e: {  	_ =	shalt  }
0x5f: {  	_ =	shalt  }
0x60: {  	_ =	shalt  }
0x61: {  	_ =	shalt  }
0x62: {  	_ =	shalt  }
0x63: {  	_ =	shalt  }
0x64: {  	_ =	shalt  }
0x65: {  	_ =	shalt  }
0x66: {  	_ =	shalt  }
0x67: {  	_ =	shalt  }
0x68: {  	_ =	shalt  }
0x69: {  	_ =	shalt  }
0x6a: {  	_ =	shalt  }
0x6b: {  	_ =	shalt  }
0x6c: {  	_ =	shalt  }
0x6d: {  	_ =	shalt  }
0x6e: {  	_ =	shalt  }
0x6f: {  	_ =	shalt  }
0x70: {  	_ =	shalt  }
0x71: {  	_ =	shalt  }
0x72: {  	_ =	shalt  }
0x73: {  	_ =	shalt  }
0x74: {  	_ =	shalt  }
0x75: {  	_ =	shalt  }
0x76: {  	_ =	shalt  }
0x77: {  	_ =	shalt  }
0x78: {  	_ =	shalt  }
0x79: {  	_ =	shalt  }
0x7a: {  	_ =	shalt  }
0x7b: {  	_ =	shalt  }
0x7c: {  	_ =	shalt  }
0x7d: {  	_ =	shalt  }
0x7e: {  	_ =	shalt  }
0x7f: {  	_ =	shalt  }
0x80: {  	_ =	shalt  }
0x81: {  	_ =	shalt  }
0x82: {  	_ =	shalt  }
0x83: {  	_ =	shalt  }
0x84: {  	_ =	shalt  }
0x85: {  	_ =	shalt  }
0x86: {  	_ =	shalt  }
0x87: {  	_ =	shalt  }
.Lfunc_end0:
.L_simem_size_0:
called_computation_lowered:
.L_overlay_start_0:
0x88: {  	s2 =	sld [smem:$0x3FD9]  }
0x89: {  	s3 =	sld [smem:$0x3FFE];
	_ =	sdelay $0x1  }
0x8a: {  	s1 =	srdreg.scid  }
0x8b: {  	s0 =	sand.u32 $0x1, s1  }
0x8c: {  	s14 =	sshll.u32 s0, $0xA;
	s2 =	sadd.s32 s3, s2  }
0x8d: {  	s2 =	sadd.s32 s2, s14  }
0x8e: {  	[smem:$0x3FC2] =	sst s2  }
0x8f: {  	_ = 	snop  }
0x90: {  	s2 =	sld [smem:$0x3FC9]  }
0x91: {  	s15 =	sld [smem:$0x3FD0]  }
0x92: {  	s4 =	sld [smem:$0x3FC8]  }
0x93: {  	s5 =	sld [smem:$0x3FC6]  }
0x94: {  	s7 =	simm.s32 $0xA;
	s8 =	simm.s32 $0x10;
	s6 =	sld [smem:$0x3FC5]  }
0x95: {  	[smem:s8], [sflag:s7] =	dma.local [hbm:s15], $0x1  }
0x96: {  	_ =	swait.eq [sflag:s7], $0x1  }
0x97: {  	[sflag:s7] =	ssyncset.done $0x0  }
0x98: {  	s16 =	sld [smem:$0x10];
	[sflag:s7] =	ssyncadd.s32 $0xFFFFFFFF  }
0x99: {  	s17 =	sld [smem:$0x11];
	(tm) =	ssettm $0x1  }
0x9a: {  	s18 =	sld [smem:$0x3FFB];
	_ =	sdelay $0x3  }
0x9b: {  	_ =	strace s18  }
0x9c: {  	s8 =	sld [smem:$0x3FFC];
	_ =	sdelay $0x3  }
0x9d: {  	_ =	strace s8  }
0x9e: {  	s8 =	sld [smem:$0x3FFD];
	_ =	sdelay $0x3  }
0x9f: {  	_ =	strace s8  }
0xa0: {  	_ =	strace $0x8FFFFFFF  }
0xa1: {  	s19 =	sld [smem:$0x3FDB];
	_ =	sdelay $0x1  }
0xa2: {  	s9 =	simm.s32 $_scs_section_size  }
0xa3: {  	s10 =	simm.s32 $_size__tile_overlayer_lowered;
	s11 =	simm.s32 $_tile_overlayer_lowered  }
0xa4: {  	s22 =	simm.s32 $0x1BFF;
	s21 =	sshll.u32 s11, $0x1;
	s8 =	sadd.s32 s9, s19  }
0xa5: {  	s12 =	simm.s32 $0x0;
	s20 =	sshll.u32 s10, $0x1;
	s10 =	sadd.s32 s21, s8  }
0xa6: {  	[timem:s12], [sflag:s22] =	dma.local [hbm:s10], s20  }
0xa7: {  	_ =	swait.ge [sflag:s22], s20  }
0xa8: {  	s9 =	ssub.s32 $0x0, s20;
	[sflag:s22] =	ssyncset.done $0x0  }
0xa9: {  	[sflag:s22] =	ssyncadd.s32 s9;
	_ =	sdelay $0x1  }
0xaa: {  	s23 =	simm.s32 $0x1B8B  }
0xab: {  	_ =	swait.ge [sflag:s23], $0x1  }
0xac: {  	[sflag:s23] =	ssyncset.done $0x0  }
0xad: {  	s25 =	simm.s32 $0x1B8E;
	s24 =	sld [smem:$0x3FFE];
	[sflag:s23] =	ssyncadd.s32 $0xFFFFFFFF  }
0xae: {  	s26 =	simm.s32 $execute0_lowered;
	[smem:$0x3FD2] =	sst s25  }
0xaf: {  	s10 =	sshll.u32 s26, $0x1;
	_ =	strace $0x80000046;
	[dreg:$0x1] =	wrdreg $0xFFFFFFFF  }
0xb0: {  	s28 =	simm.s32 $_size_execute0_lowered;
	s8 =	sadd.s32 s8, s10;
	[dreg:$0x0] =	wrdreg $0x0  }
0xb1: {  	s10 =	sshll.u32 s28, $0x1;
	[dreg:$0x2] =	wrdreg s8  }
0xb2: {  	[dreg:$0x3] =	wrdreg s10  }
0xb3: {  	[dreg:$0x4] =	wrdreg $0xC0  }
0xb4: {  	_ =	task [dreg:s12], $0x5FFFF  }
0xb5: {  	[dreg:$0x1] =	wrdreg $0xFFFFFFFF  }
0xb6: {  	[dreg:$0x0] =	wrdreg $0x60  }
0xb7: {  	[dreg:$0x2] =	wrdreg s2  }
0xb8: {  	[dreg:$0x3] =	wrdreg s4  }
0xb9: {  	[dreg:$0x4] =	wrdreg s5  }
0xba: {  	[dreg:$0x5] =	wrdreg s6  }
0xbb: {  	[dreg:$0x6] =	wrdreg s24  }
0xbc: {  	[dreg:$0x7] =	wrdreg s16  }
0xbd: {  	[dreg:$0x8] =	wrdreg s17  }
0xbe: {  	[dreg:$0x9] =	wrdreg $0x9  }
0xbf: {  	_ =	task.clear_ibuf [dreg:s12], $0xAFFFF;
	_ =	strace $0x90000046  }
0xc0: {  	s29 =	simm.s32 $0x9;
	_ =	strace $0x80000048  }
0xc1: {  	_ =	swait.ge [sflag:s29], $0x1  }
0xc2: {  	[sflag:s29] =	ssyncadd.s32 $0xFFFFFFFF  }
0xc3: {  	_ =	strace $0x90000048  }
0xc4: {  	_ =	sfence  }
0xc5: {  	s30 =	sld [smem:$0x0];
	_ =	sdelay $0x2  }
0xc6: {  	s31 =	sshll.u32 s1, $0xD;
	s1 =	sshrl.u32 s1, $0x2  }
0xc7: {  	s3 =	sand.u32 $0x4000, s31;
	s1 =	sadd.s32 s1, s30  }
0xc8: {  	s0 =	sor.u32 s3, s0;
	s1 =	sshll.u32 s1, $0x11  }
0xc9: {  	s0 =	sor.u32 s1, s0  }
0xca: {  	s0 =	sadd.s32 $0x8F2B, s0  }
0xcb: {  	[sflag:s0] =	ssyncadd.remote.s32 $0x1  }
0xcc: {  	_ =	sfence.sel $0xFFFF  }
0xcd: {  	[dreg:$0x0] =	wrdreg $0xFFFFFFFF;
	(pc) =	sbr.abs _section_cstart, $3  }
0xce: {  	[dreg:$0x1] =	wrdreg $0xFFFFFFFF  }
0xcf: {  	_ =	task.clear_ibuf [dreg:s12], $0x2FFFF;
	_ =	strace $0x9FFFFFFF  }
0xd0: {  	(tm) =	ssettm $0x7FFFFFFF  }
0xd1: {  	_ =	shalt  }
tec
execute0_lowered:
.L_overlay_start_1:
0x0: {  	(tag) =	ssettag $0x1  }
0x1: {  	s0 =	rddreg [dreg:$0x0]  }
0x2: {  	s3 =	rddreg [dreg:$0x1]  }
0x3: {  	s1 =	rddreg [dreg:$0x2]  }
0x4: {  	s2 =	rddreg [dreg:$0x3]  }
0x5: {  	s4 =	rddreg [dreg:$0x4]  }
0x6: {  	s7 =	rddreg [dreg:$0x5]  }
0x7: {  	s8 =	rddreg [dreg:$0x6]  }
0x8: {  	s5 =	simm.s32 $0x0;
	s22 =	srdreg.scid;
	s9 =	stileid.u32  }
0x9: {  	s14 =	simm.s32 $0x1;
	s15 =	simm.s32 $0x200;
	s16 =	simm.s32 $0x10200  }
0xa: {  	s17 =	simm.s32 $0x5;
	s18 =	simm.s32 $0x8200;
	s19 =	simm.s32 $0x12200  }
0xb: {  	s20 =	simm.s32 $0x2;
	s21 =	simm.s32 $0x2200;
	s28 =	simm.s32 $0xC200  }
0xc: {  	s29 =	simm.s32 $0x4;
	s30 =	simm.s32 $0x6200;
	s31 =	simm.s32 $0x8  }
0xd: {  	v0 =	vlaneseq.u32;
	[smem:$0x7FF] =	sst s5;
	s6 =	sand.u32 $0x1, s22;
	s9 =	sshll.u32 s9, $0x1  }
0xe: {  	s5 =	sadd.s32 $0xC00, s4;
	v0 =	vmul.u32 $0x80, v0;
	s22 =	simm.s32 $0x6;
	s9 =	sor.u32 s6, s9  }
0xf: {  	_ =	strace $0x80000047;
	s10 =	ssub.s32 $0x2, s6;
	s11 =	sshll.u32 s9, $0x4  }
0x10: {  	s6 =	sadd.s32 $0x1400, s4;
	s23 =	sshrl.u32 s10, $0x1;
	v1 =	vor.u32 $0x800, v0;
	s0 =	sadd.s32 s0, s11  }
0x11: {  	s24 =	sshll.u32 s9, $0x7;
	v2 =	vor.u32 $0x1000, v0;
	v3 =	vor.u32 $0x1800, v0;
	v4 =	vor.u32 $0x7C, v0;
	s3 =	sadd.s32 s3, s11;
	[dreg:$0x8] =	wrdreg s0  }
0x12: {  	v5 =	vor.u32 $0x87C, v0;
	v6 =	vor.u32 $0x107C, v0;
	v7 =	vor.u32 $0x187C, v0;
	s4 =	ssub.s32 s10, s23;
	s25 =	sadd.s32 s7, s24;
	[dreg:$0x9] =	wrdreg s3  }
0x13: {  	v8 =	vor.u32 $0x7D, v0;
	v9 =	vor.u32 $0x87D, v0;
	v10 =	vor.u32 $0x107D, v0;
	s23 =	simm.s32 $0xA200;
	[dreg:$0xa] =	wrdreg s25;
	s0 =	sadd.s32 s8, s24  }
0x14: {  	v11 =	vor.u32 $0x187D, v0;
	v12 =	vor.u32 $0x7E, v0;
	v13 =	vor.u32 $0x87E, v0;
	s26 =	smax.u32 s4, $0x1;
	s8 =	simm.s32 $0x9;
	s24 =	simm.s32 $0x3  }
0x15: {  	v14 =	vor.u32 $0x107E, v0;
	v15 =	vor.u32 $0x187E, v0;
	v16 =	vor.u32 $0x7F, v0;
	s25 =	simm.s32 $0x4200;
	s4 =	simm.s32 $0x0;
	[dreg:$0xb] =	wrdreg s0  }
0x16: {  	v17 =	vor.u32 $0x87F, v0;
	v18 =	vor.u32 $0x107F, v0;
	v19 =	vor.u32 $0x187F, v0;
	[dreg:$0xc] =	wrdreg s26;
	s26 =	simm.s32 $0x7;
	s0 =	simm.s32 $0xE200  }
.LBB2_1:
0x17: {  	s3 =	simm.s32 $0x0;
	s7 =	rddreg [dreg:$0x8]  }
0x18: {  	[tilespmem:s3], [sflag:$0x9] =	stream.linear.gather [hbm4b:s7+s3], $0x80, $0x38;
	[tilespmem:$0x14200] =	vst v63  }
0x19: {  	_ =	swait.ge [sflag:s8], $0x80  }
0x1a: {  	[sflag:s8] =	ssyncset.done $0x0  }
0x1b: {  	s9 =	simm.s32 $0x100;
	s13 =	rddreg [dreg:$0x9];
	[sflag:s8] =	ssyncadd.s32 $0xFFFFFF80  }
0x1c: {  	[tilespmem:s9], [sflag:$0x9] =	stream.linear.gather [hbm4b:s13+s3], $0x80, $0x38;
	[tilespmem:$0x14200] =	vst v63  }
0x1d: {  	_ =	swait.ge [sflag:s8], $0x80  }
0x1e: {  	[sflag:s8] =	ssyncset.done $0x0  }
0x1f: {  	[sflag:s8] =	ssyncadd.s32 $0xFFFFFF80  }
0x20: {  	v20 =	vld [tilespmem:$0x0];
	_ =	sdelay $0x4  }
0x21: {  	(v2sf) =	vpush v20, $0x0;
	_ =	sdelay $0xe  }
0x22: {  	s7 =	spop (v2sf)  }
0x23: {  	p0 =	sgt.s32 s7, $0x185FF  }
0x24: {  	s8 =	sshll.u32 @p0 s7, $0x3  }
0x25: {  	s8 =	sand.u32 @p0 $0xFFFFFC00, s8  }
0x26: {  	s9 =	simm.s32 @p0 $0x400;
	s8 =	sadd.s32 @p0 $0xFFF3D000, s8  }
0x27: {  	s10 =	simm.s32 @p0 $0x800;
	s7 =	sand.u32 @!p0 $0xFFFFF80, s7;
	s8 =	sshrl.u32 @p0 s8, $0x3  }
0x28: {  	s11 =	simm.s32 @p0 $0x200;
	s7 =	sadd.s32 @!p0 s1, s7;
	s8 =	sadd.s32 @p0 s5, s8  }
0x29: {  	[tilespmem:s11], [sflag:$0x1] =	stream.strided.gather @p0 [hbm4b:s8+s9], $0x2000, s10, s9, $0x38;
	[tilespmem:$0x14200] =	vst v63  }
0x2a: {  	s8 =	simm.s32 @!p0 $0x400;
	s9 =	simm.s32 @!p0 $0xC3800;
	s10 =	simm.s32 @!p0 $0x200  }
0x2b: {  	[tilespmem:s10], [sflag:$0x1] =	stream.strided.gather @!p0 [hbm4b:s7+s8], $0x2000, s9, s8, $0x38;
	[tilespmem:$0x14200] =	vst v63  }
0x2c: {  	v20 =	vld [tilespmem:$0x100];
	_ =	sdelay $0x4  }
0x2d: {  	(v2sf) =	vpush v20, $0x0;
	_ =	sdelay $0xe  }
0x2e: {  	s7 =	spop (v2sf)  }
0x2f: {  	p0 =	sgt.s32 s7, $0xF417F  }
0x30: {  	s8 =	sshll.u32 @p0 s7, $0x3  }
0x31: {  	s8 =	sand.u32 @p0 $0xFFFFFC00, s8  }
0x32: {  	s9 =	simm.s32 @p0 $0x400;
	s8 =	sadd.s32 @p0 $0xFF85F400, s8  }
0x33: {  	s10 =	simm.s32 @p0 $0x800;
	s7 =	sand.u32 @!p0 $0xFFFFF80, s7;
	s8 =	sshrl.u32 @p0 s8, $0x3  }
0x34: {  	s11 =	simm.s32 @p0 $0x8200;
	s7 =	sadd.s32 @!p0 s2, s7;
	s8 =	sadd.s32 @p0 s6, s8  }
0x35: {  	[tilespmem:s11], [sflag:$0x5] =	stream.strided.gather @p0 [hbm4b:s8+s9], $0x2000, s10, s9, $0x38;
	[tilespmem:$0x14200] =	vst v63  }
0x36: {  	s8 =	simm.s32 @!p0 $0x400;
	s9 =	simm.s32 @!p0 $0x7A1400;
	s10 =	simm.s32 @!p0 $0x8200  }
0x37: {  	[tilespmem:s10], [sflag:$0x5] =	stream.strided.gather @!p0 [hbm4b:s7+s8], $0x2000, s9, s8, $0x38;
	[tilespmem:$0x14200] =	vst v63  }
0x38: {  	v20 =	vld [tilespmem:$0x1];
	_ =	sdelay $0x4  }
0x39: {  	(v2sf) =	vpush v20, $0x0;
	_ =	sdelay $0xe  }
0x3a: {  	s7 =	spop (v2sf)  }
0x3b: {  	p0 =	sgt.s32 s7, $0x185FF  }
0x3c: {  	s8 =	sshll.u32 @p0 s7, $0x3  }
0x3d: {  	s8 =	sand.u32 @p0 $0xFFFFFC00, s8  }
0x3e: {  	s9 =	simm.s32 @p0 $0x400;
	s8 =	sadd.s32 @p0 $0xFFF3D000, s8  }
0x3f: {  	s10 =	simm.s32 @p0 $0x800;
	s7 =	sand.u32 @!p0 $0xFFFFF80, s7;
	s8 =	sshrl.u32 @p0 s8, $0x3  }
0x40: {  	s11 =	simm.s32 @p0 $0x2200;
	s7 =	sadd.s32 @!p0 s1, s7;
	s8 =	sadd.s32 @p0 s5, s8  }
0x41: {  	[tilespmem:s11], [sflag:$0x2] =	stream.strided.gather @p0 [hbm4b:s8+s9], $0x2000, s10, s9, $0x38;
	[tilespmem:$0x14200] =	vst v63  }
0x42: {  	s8 =	simm.s32 @!p0 $0x400;
	s9 =	simm.s32 @!p0 $0xC3800;
	s10 =	simm.s32 @!p0 $0x2200  }
0x43: {  	[tilespmem:s10], [sflag:$0x2] =	stream.strided.gather @!p0 [hbm4b:s7+s8], $0x2000, s9, s8, $0x38;
	[tilespmem:$0x14200] =	vst v63  }
0x44: {  	v20 =	vld [tilespmem:$0x101];
	_ =	sdelay $0x4  }
0x45: {  	(v2sf) =	vpush v20, $0x0;
	_ =	sdelay $0xe  }
0x46: {  	s7 =	spop (v2sf)  }
0x47: {  	p0 =	sgt.s32 s7, $0xF417F  }
0x48: {  	s8 =	sshll.u32 @p0 s7, $0x3  }
0x49: {  	s8 =	sand.u32 @p0 $0xFFFFFC00, s8  }
0x4a: {  	s9 =	simm.s32 @p0 $0x400;
	s8 =	sadd.s32 @p0 $0xFF85F400, s8  }
0x4b: {  	s10 =	simm.s32 @p0 $0x800;
	s7 =	sand.u32 @!p0 $0xFFFFF80, s7;
	s8 =	sshrl.u32 @p0 s8, $0x3  }
0x4c: {  	s11 =	simm.s32 @p0 $0xA200;
	s7 =	sadd.s32 @!p0 s2, s7;
	s8 =	sadd.s32 @p0 s6, s8  }
0x4d: {  	[tilespmem:s11], [sflag:$0x6] =	stream.strided.gather @p0 [hbm4b:s8+s9], $0x2000, s10, s9, $0x38;
	[tilespmem:$0x14200] =	vst v63  }
0x4e: {  	s8 =	simm.s32 @!p0 $0x400;
	s9 =	simm.s32 @!p0 $0x7A1400;
	s10 =	simm.s32 @!p0 $0xA200  }
0x4f: {  	[tilespmem:s10], [sflag:$0x6] =	stream.strided.gather @!p0 [hbm4b:s7+s8], $0x2000, s9, s8, $0x38;
	[tilespmem:$0x14200] =	vst v63  }
0x50: {  	v20 =	vld [tilespmem:$0x2];
	_ =	sdelay $0x4  }
0x51: {  	(v2sf) =	vpush v20, $0x0;
	_ =	sdelay $0xe  }
0x52: {  	s7 =	spop (v2sf)  }
0x53: {  	p0 =	sgt.s32 s7, $0x185FF  }
0x54: {  	s8 =	sshll.u32 @p0 s7, $0x3  }
0x55: {  	s8 =	sand.u32 @p0 $0xFFFFFC00, s8  }
0x56: {  	s9 =	simm.s32 @p0 $0x400;
	s8 =	sadd.s32 @p0 $0xFFF3D000, s8  }
0x57: {  	s10 =	simm.s32 @p0 $0x800;
	s7 =	sand.u32 @!p0 $0xFFFFF80, s7;
	s8 =	sshrl.u32 @p0 s8, $0x3  }
0x58: {  	s11 =	simm.s32 @p0 $0x4200;
	s7 =	sadd.s32 @!p0 s1, s7;
	s8 =	sadd.s32 @p0 s5, s8  }
0x59: {  	[tilespmem:s11], [sflag:$0x3] =	stream.strided.gather @p0 [hbm4b:s8+s9], $0x2000, s10, s9, $0x38;
	[tilespmem:$0x14200] =	vst v63  }
0x5a: {  	s8 =	simm.s32 @!p0 $0x400;
	s9 =	simm.s32 @!p0 $0xC3800;
	s10 =	simm.s32 @!p0 $0x4200  }
0x5b: {  	[tilespmem:s10], [sflag:$0x3] =	stream.strided.gather @!p0 [hbm4b:s7+s8], $0x2000, s9, s8, $0x38;
	[tilespmem:$0x14200] =	vst v63  }
0x5c: {  	v20 =	vld [tilespmem:$0x102];
	_ =	sdelay $0x4  }
0x5d: {  	(v2sf) =	vpush v20, $0x0;
	_ =	sdelay $0xe  }
0x5e: {  	s7 =	spop (v2sf)  }
0x5f: {  	p0 =	sgt.s32 s7, $0xF417F  }
0x60: {  	s8 =	sshll.u32 @p0 s7, $0x3  }
0x61: {  	s8 =	sand.u32 @p0 $0xFFFFFC00, s8  }
0x62: {  	s9 =	simm.s32 @p0 $0x400;
	s8 =	sadd.s32 @p0 $0xFF85F400, s8  }
0x63: {  	s10 =	simm.s32 @p0 $0x800;
	s7 =	sand.u32 @!p0 $0xFFFFF80, s7;
	s8 =	sshrl.u32 @p0 s8, $0x3  }
0x64: {  	s11 =	simm.s32 @p0 $0xC200;
	s7 =	sadd.s32 @!p0 s2, s7;
	s8 =	sadd.s32 @p0 s6, s8  }
0x65: {  	[tilespmem:s11], [sflag:$0x7] =	stream.strided.gather @p0 [hbm4b:s8+s9], $0x2000, s10, s9, $0x38;
	[tilespmem:$0x14200] =	vst v63  }
0x66: {  	s8 =	simm.s32 @!p0 $0x400;
	s9 =	simm.s32 @!p0 $0x7A1400;
	s10 =	simm.s32 @!p0 $0xC200  }
0x67: {  	[tilespmem:s10], [sflag:$0x7] =	stream.strided.gather @!p0 [hbm4b:s7+s8], $0x2000, s9, s8, $0x38;
	[tilespmem:$0x14200] =	vst v63  }
0x68: {  	v20 =	vld [tilespmem:$0x3];
	_ =	sdelay $0x4  }
0x69: {  	(v2sf) =	vpush v20, $0x0;
	_ =	sdelay $0xe  }
0x6a: {  	s7 =	spop (v2sf)  }
0x6b: {  	p0 =	sgt.s32 s7, $0x185FF  }
0x6c: {  	s8 =	sshll.u32 @p0 s7, $0x3  }
0x6d: {  	s8 =	sand.u32 @p0 $0xFFFFFC00, s8  }
0x6e: {  	s9 =	simm.s32 @p0 $0x400;
	s8 =	sadd.s32 @p0 $0xFFF3D000, s8  }
0x6f: {  	s10 =	simm.s32 @p0 $0x800;
	s7 =	sand.u32 @!p0 $0xFFFFF80, s7;
	s8 =	sshrl.u32 @p0 s8, $0x3  }
0x70: {  	s11 =	simm.s32 @p0 $0x6200;
	s7 =	sadd.s32 @!p0 s1, s7;
	s8 =	sadd.s32 @p0 s5, s8  }
0x71: {  	[tilespmem:s11], [sflag:$0x4] =	stream.strided.gather @p0 [hbm4b:s8+s9], $0x2000, s10, s9, $0x38;
	[tilespmem:$0x14200] =	vst v63  }
0x72: {  	s8 =	simm.s32 @!p0 $0x400;
	s9 =	simm.s32 @!p0 $0xC3800;
	s10 =	simm.s32 @!p0 $0x6200  }
0x73: {  	[tilespmem:s10], [sflag:$0x4] =	stream.strided.gather @!p0 [hbm4b:s7+s8], $0x2000, s9, s8, $0x38;
	[tilespmem:$0x14200] =	vst v63  }
0x74: {  	v20 =	vld [tilespmem:$0x103];
	_ =	sdelay $0x4  }
0x75: {  	(v2sf) =	vpush v20, $0x0;
	_ =	sdelay $0xe  }
0x76: {  	s7 =	spop (v2sf)  }
0x77: {  	p0 =	sgt.s32 s7, $0xF417F  }
0x78: {  	s8 =	sshll.u32 @p0 s7, $0x3  }
0x79: {  	s8 =	sand.u32 @p0 $0xFFFFFC00, s8  }
0x7a: {  	s9 =	simm.s32 @p0 $0x400;
	s8 =	sadd.s32 @p0 $0xFF85F400, s8  }
0x7b: {  	s10 =	simm.s32 @p0 $0x800;
	s7 =	sand.u32 @!p0 $0xFFFFF80, s7;
	s8 =	sshrl.u32 @p0 s8, $0x3  }
0x7c: {  	s11 =	simm.s32 @p0 $0xE200;
	s7 =	sadd.s32 @!p0 s2, s7;
	s8 =	sadd.s32 @p0 s6, s8  }
0x7d: {  	[tilespmem:s11], [sflag:$0x8] =	stream.strided.gather @p0 [hbm4b:s8+s9], $0x2000, s10, s9, $0x38;
	[tilespmem:$0x14200] =	vst v63  }
0x7e: {  	s8 =	simm.s32 @!p0 $0x400;
	s9 =	simm.s32 @!p0 $0x7A1400;
	s10 =	simm.s32 @!p0 $0xE200  }
0x7f: {  	[tilespmem:s10], [sflag:$0x8] =	stream.strided.gather @!p0 [hbm4b:s7+s8], $0x2000, s9, s8, $0x38;
	[tilespmem:$0x14200] =	vst v63  }
0x80: {  	s7 =	simm.s32 $0x104;
	s8 =	simm.s32 $0x4;
	s9 =	simm.s32 $0x3  }
.LBB2_2:
0x81: {  	_ =	swait.ge [sflag:s14], $0x2000  }
0x82: {  	[sflag:s14] =	ssyncset.done $0x0  }
0x83: {  	[sflag:s14] =	ssyncadd.s32 $0xFFFFE000  }
0x84: {  	v20 =	vld [tilespmem:s8+$0xFFFFFFFC];
	_ =	sdelay $0x4  }
0x85: {  	(v2sf) =	vpush v20, $0x0;
	_ =	sdelay $0xe  }
0x86: {  	s10 =	spop (v2sf)  }
0x87: {  	s10 =	sand.u32 $0x7F, s10  }
0x88: {  	s11 =	sadd.s32 $0xFFFFFFFD, s9;
	v20 =	vor.u32 s10, v0  }
0x89: {  	v21 =	vmov s11  }
0x8a: {  	v21 =	vand.u32 $0x7C, v21  }
0x8b: {  	v21 =	vbroadcast v21, $0x0;
	_ =	sdelay $0x1  }
0x8c: {  	v22 =	vor.u32 v0, v21;
	v20 =	vld.idx.msk [tilespmem:v20+s15+$0x0], $0xffff  }
0x8d: {  	v23 =	vor.u32 s10, v1;
	_ =	sdelay $0x3  }
0x8e: {  	[tilespmem:v22+s16+$0x0] =	vst.idx.msk $0xffff, v20  }
0x8f: {  	v29 =	vor.u32 v1, v21;
	v20 =	vld.idx.msk [tilespmem:v23+s15+$0x0], $0xffff  }
0x90: {  	v24 =	vor.u32 s10, v2;
	_ =	sdelay $0x3  }
0x91: {  	[tilespmem:v29+s16+$0x0] =	vst.idx.msk $0xffff, v20  }
0x92: {  	v30 =	vor.u32 v2, v21;
	v20 =	vld.idx.msk [tilespmem:v24+s15+$0x0], $0xffff  }
0x93: {  	v25 =	vor.u32 s10, v3;
	_ =	sdelay $0x3  }
0x94: {  	[tilespmem:v30+s16+$0x0] =	vst.idx.msk $0xffff, v20  }
0x95: {  	v21 =	vor.u32 v3, v21;
	v20 =	vld.idx.msk [tilespmem:v25+s15+$0x0], $0xffff;
	_ =	sdelay $0x4  }
0x96: {  	[tilespmem:v21+s16+$0x0] =	vst.idx.msk $0xffff, v20  }
0x97: {  	v20 =	vld [tilespmem:s8+$0x0];
	_ =	sdelay $0x4  }
0x98: {  	(v2sf) =	vpush v20, $0x0;
	_ =	sdelay $0xe  }
0x99: {  	s10 =	spop (v2sf)  }
0x9a: {  	p0 =	sgt.s32 s10, $0x185FF  }
0x9b: {  	s11 =	sshll.u32 @p0 s10, $0x3  }
0x9c: {  	s11 =	sand.u32 @p0 $0xFFFFFC00, s11  }
0x9d: {  	s11 =	sadd.s32 @p0 $0xFFF3D000, s11  }
0x9e: {  	s3 =	simm.s32 @p0 $0x400;
	s11 =	sshrl.u32 @p0 s11, $0x3  }
0x9f: {  	s13 =	simm.s32 @p0 $0x800;
	s12 =	simm.s32 @p0 $0x200;
	s11 =	sadd.s32 @p0 s5, s11  }
0xa0: {  	[tilespmem:s12], [sflag:$0x1] =	stream.strided.gather @p0 [hbm4b:s11+s3], $0x2000, s13, s3, $0x38;
	[tilespmem:$0x14200] =	vst v63  }
0xa1: {  	s3 =	sand.u32 @!p0 $0xFFFFF80, s10;
	s10 =	simm.s32 @!p0 $0x400  }
0xa2: {  	s11 =	simm.s32 @!p0 $0xC3800;
	s12 =	simm.s32 @!p0 $0x200;
	s3 =	sadd.s32 @!p0 s1, s3  }
0xa3: {  	[tilespmem:s12], [sflag:$0x1] =	stream.strided.gather @!p0 [hbm4b:s3+s10], $0x2000, s11, s10, $0x38;
	[tilespmem:$0x14200] =	vst v63  }
0xa4: {  	_ =	swait.ge [sflag:s17], $0x2000  }
0xa5: {  	[sflag:s17] =	ssyncset.done $0x0  }
0xa6: {  	[sflag:s17] =	ssyncadd.s32 $0xFFFFE000  }
0xa7: {  	v20 =	vld [tilespmem:s7+$0xFFFFFFFC];
	_ =	sdelay $0x4  }
0xa8: {  	(v2sf) =	vpush v20, $0x0;
	_ =	sdelay $0xe  }
0xa9: {  	s11 =	spop (v2sf)  }
0xaa: {  	s3 =	sand.u32 $0x7F, s11  }
0xab: {  	v20 =	vor.u32 s3, v0;
	_ =	sdelay $0x4  }
0xac: {  	v20 =	vld.idx.msk [tilespmem:v20+s18+$0x0], $0xffff  }
0xad: {  	v31 =	vor.u32 s3, v1;
	_ =	sdelay $0x3  }
0xae: {  	[tilespmem:v22+s19+$0x0] =	vst.idx.msk $0xffff, v20  }
0xaf: {  	v20 =	vld.idx.msk [tilespmem:v31+s18+$0x0], $0xffff  }
0xb0: {  	v32 =	vor.u32 s3, v2;
	_ =	sdelay $0x3  }
0xb1: {  	[tilespmem:v29+s19+$0x0] =	vst.idx.msk $0xffff, v20  }
0xb2: {  	v20 =	vld.idx.msk [tilespmem:v32+s18+$0x0], $0xffff  }
0xb3: {  	v33 =	vor.u32 s3, v3;
	_ =	sdelay $0x3  }
0xb4: {  	[tilespmem:v30+s19+$0x0] =	vst.idx.msk $0xffff, v20  }
0xb5: {  	v20 =	vld.idx.msk [tilespmem:v33+s18+$0x0], $0xffff;
	_ =	sdelay $0x4  }
0xb6: {  	[tilespmem:v21+s19+$0x0] =	vst.idx.msk $0xffff, v20  }
0xb7: {  	v20 =	vld [tilespmem:s7+$0x0];
	_ =	sdelay $0x4  }
0xb8: {  	(v2sf) =	vpush v20, $0x0;
	_ =	sdelay $0xe  }
0xb9: {  	s3 =	spop (v2sf)  }
0xba: {  	p0 =	sgt.s32 s3, $0xF417F  }
0xbb: {  	s10 =	sshll.u32 @p0 s3, $0x3  }
0xbc: {  	s10 =	sand.u32 @p0 $0xFFFFFC00, s10  }
0xbd: {  	s11 =	simm.s32 @p0 $0x400;
	s10 =	sadd.s32 @p0 $0xFF85F400, s10  }
0xbe: {  	s12 =	simm.s32 @p0 $0x800;
	s3 =	sand.u32 @!p0 $0xFFFFF80, s3;
	s10 =	sshrl.u32 @p0 s10, $0x3  }
0xbf: {  	s13 =	simm.s32 @p0 $0x8200;
	s3 =	sadd.s32 @!p0 s2, s3;
	s10 =	sadd.s32 @p0 s6, s10  }
0xc0: {  	[tilespmem:s13], [sflag:$0x5] =	stream.strided.gather @p0 [hbm4b:s10+s11], $0x2000, s12, s11, $0x38;
	[tilespmem:$0x14200] =	vst v63  }
0xc1: {  	s10 =	simm.s32 @!p0 $0x400;
	s11 =	simm.s32 @!p0 $0x7A1400;
	s12 =	simm.s32 @!p0 $0x8200  }
0xc2: {  	[tilespmem:s12], [sflag:$0x5] =	stream.strided.gather @!p0 [hbm4b:s3+s10], $0x2000, s11, s10, $0x38;
	[tilespmem:$0x14200] =	vst v63  }
0xc3: {  	_ =	swait.ge [sflag:s20], $0x2000  }
0xc4: {  	[sflag:s20] =	ssyncset.done $0x0  }
0xc5: {  	[sflag:s20] =	ssyncadd.s32 $0xFFFFE000  }
0xc6: {  	v20 =	vld [tilespmem:s8+$0xFFFFFFFD];
	_ =	sdelay $0x4  }
0xc7: {  	(v2sf) =	vpush v20, $0x0;
	_ =	sdelay $0xe  }
0xc8: {  	s12 =	spop (v2sf)  }
0xc9: {  	s3 =	sand.u32 $0x7F, s12  }
0xca: {  	s13 =	sadd.s32 $0xFFFFFFFE, s9;
	v20 =	vor.u32 s3, v0  }
0xcb: {  	v34 =	vmov s13  }
0xcc: {  	v21 =	vand.u32 $0x7D, v34  }
0xcd: {  	v21 =	vbroadcast v21, $0x0;
	_ =	sdelay $0x1  }
0xce: {  	v35 =	vor.u32 v0, v21;
	v20 =	vld.idx.msk [tilespmem:v20+s21+$0x0], $0xffff  }
0xcf: {  	v36 =	vor.u32 s3, v1;
	_ =	sdelay $0x3  }
0xd0: {  	[tilespmem:v35+s16+$0x0] =	vst.idx.msk $0xffff, v20  }
0xd1: {  	v37 =	vor.u32 v1, v21;
	v20 =	vld.idx.msk [tilespmem:v36+s21+$0x0], $0xffff  }
0xd2: {  	v38 =	vor.u32 s3, v2;
	_ =	sdelay $0x3  }
0xd3: {  	[tilespmem:v37+s16+$0x0] =	vst.idx.msk $0xffff, v20  }
0xd4: {  	v39 =	vor.u32 v2, v21;
	v20 =	vld.idx.msk [tilespmem:v38+s21+$0x0], $0xffff  }
0xd5: {  	v40 =	vor.u32 s3, v3;
	_ =	sdelay $0x3  }
0xd6: {  	[tilespmem:v39+s16+$0x0] =	vst.idx.msk $0xffff, v20  }
0xd7: {  	v21 =	vor.u32 v3, v21;
	v20 =	vld.idx.msk [tilespmem:v40+s21+$0x0], $0xffff;
	_ =	sdelay $0x4  }
0xd8: {  	[tilespmem:v21+s16+$0x0] =	vst.idx.msk $0xffff, v20  }
0xd9: {  	v20 =	vld [tilespmem:s8+$0x1];
	_ =	sdelay $0x4  }
0xda: {  	(v2sf) =	vpush v20, $0x0;
	_ =	sdelay $0xe  }
0xdb: {  	s3 =	spop (v2sf)  }
0xdc: {  	p0 =	sgt.s32 s3, $0x185FF  }
0xdd: {  	s10 =	sshll.u32 @p0 s3, $0x3  }
0xde: {  	s10 =	sand.u32 @p0 $0xFFFFFC00, s10  }
0xdf: {  	s11 =	simm.s32 @p0 $0x400;
	s10 =	sadd.s32 @p0 $0xFFF3D000, s10  }
0xe0: {  	s12 =	simm.s32 @p0 $0x800;
	s3 =	sand.u32 @!p0 $0xFFFFF80, s3;
	s10 =	sshrl.u32 @p0 s10, $0x3  }
0xe1: {  	s13 =	simm.s32 @p0 $0x2200;
	s3 =	sadd.s32 @!p0 s1, s3;
	s10 =	sadd.s32 @p0 s5, s10  }
0xe2: {  	[tilespmem:s13], [sflag:$0x2] =	stream.strided.gather @p0 [hbm4b:s10+s11], $0x2000, s12, s11, $0x38;
	[tilespmem:$0x14200] =	vst v63  }
0xe3: {  	s10 =	simm.s32 @!p0 $0x400;
	s11 =	simm.s32 @!p0 $0xC3800;
	s12 =	simm.s32 @!p0 $0x2200  }
0xe4: {  	[tilespmem:s12], [sflag:$0x2] =	stream.strided.gather @!p0 [hbm4b:s3+s10], $0x2000, s11, s10, $0x38;
	[tilespmem:$0x14200] =	vst v63  }
0xe5: {  	_ =	swait.ge [sflag:s22], $0x2000  }
0xe6: {  	[sflag:s22] =	ssyncset.done $0x0  }
0xe7: {  	[sflag:s22] =	ssyncadd.s32 $0xFFFFE000  }
0xe8: {  	v20 =	vld [tilespmem:s7+$0xFFFFFFFD];
	_ =	sdelay $0x4  }
0xe9: {  	(v2sf) =	vpush v20, $0x0;
	_ =	sdelay $0xe  }
0xea: {  	s11 =	spop (v2sf)  }
0xeb: {  	s3 =	sand.u32 $0x7F, s11  }
0xec: {  	v20 =	vor.u32 s3, v0;
	_ =	sdelay $0x4  }
0xed: {  	v20 =	vld.idx.msk [tilespmem:v20+s23+$0x0], $0xffff  }
0xee: {  	v41 =	vor.u32 s3, v1;
	_ =	sdelay $0x3  }
0xef: {  	[tilespmem:v35+s19+$0x0] =	vst.idx.msk $0xffff, v20  }
0xf0: {  	v20 =	vld.idx.msk [tilespmem:v41+s23+$0x0], $0xffff  }
0xf1: {  	v42 =	vor.u32 s3, v2;
	_ =	sdelay $0x3  }
0xf2: {  	[tilespmem:v37+s19+$0x0] =	vst.idx.msk $0xffff, v20  }
0xf3: {  	v20 =	vld.idx.msk [tilespmem:v42+s23+$0x0], $0xffff  }
0xf4: {  	v43 =	vor.u32 s3, v3;
	_ =	sdelay $0x3  }
0xf5: {  	[tilespmem:v39+s19+$0x0] =	vst.idx.msk $0xffff, v20  }
0xf6: {  	v20 =	vld.idx.msk [tilespmem:v43+s23+$0x0], $0xffff;
	_ =	sdelay $0x4  }
0xf7: {  	[tilespmem:v21+s19+$0x0] =	vst.idx.msk $0xffff, v20  }
0xf8: {  	v20 =	vld [tilespmem:s7+$0x1];
	_ =	sdelay $0x4  }
0xf9: {  	(v2sf) =	vpush v20, $0x0;
	_ =	sdelay $0xe  }
0xfa: {  	s3 =	spop (v2sf)  }
0xfb: {  	p0 =	sgt.s32 s3, $0xF417F  }
0xfc: {  	s10 =	sshll.u32 @p0 s3, $0x3  }
0xfd: {  	s10 =	sand.u32 @p0 $0xFFFFFC00, s10  }
0xfe: {  	s11 =	simm.s32 @p0 $0x400;
	s10 =	sadd.s32 @p0 $0xFF85F400, s10  }
0xff: {  	s12 =	simm.s32 @p0 $0x800;
	s3 =	sand.u32 @!p0 $0xFFFFF80, s3;
	s10 =	sshrl.u32 @p0 s10, $0x3  }
0x100: {  	s13 =	simm.s32 @p0 $0xA200;
	s3 =	sadd.s32 @!p0 s2, s3;
	s10 =	sadd.s32 @p0 s6, s10  }
0x101: {  	[tilespmem:s13], [sflag:$0x6] =	stream.strided.gather @p0 [hbm4b:s10+s11], $0x2000, s12, s11, $0x38;
	[tilespmem:$0x14200] =	vst v63  }
0x102: {  	s10 =	simm.s32 @!p0 $0x400;
	s11 =	simm.s32 @!p0 $0x7A1400;
	s12 =	simm.s32 @!p0 $0xA200  }
0x103: {  	[tilespmem:s12], [sflag:$0x6] =	stream.strided.gather @!p0 [hbm4b:s3+s10], $0x2000, s11, s10, $0x38;
	[tilespmem:$0x14200] =	vst v63  }
0x104: {  	_ =	swait.ge [sflag:s24], $0x2000  }
0x105: {  	[sflag:s24] =	ssyncset.done $0x0  }
0x106: {  	[sflag:s24] =	ssyncadd.s32 $0xFFFFE000  }
0x107: {  	v20 =	vld [tilespmem:s8+$0xFFFFFFFE];
	_ =	sdelay $0x4  }
0x108: {  	(v2sf) =	vpush v20, $0x0;
	_ =	sdelay $0xe  }
0x109: {  	s12 =	spop (v2sf)  }
0x10a: {  	s3 =	sand.u32 $0x7F, s12  }
0x10b: {  	s13 =	sadd.s32 $0xFFFFFFFF, s9;
	v20 =	vor.u32 s3, v0  }
0x10c: {  	v44 =	vmov s13  }
0x10d: {  	v21 =	vand.u32 $0x7E, v44  }
0x10e: {  	v21 =	vbroadcast v21, $0x0;
	_ =	sdelay $0x1  }
0x10f: {  	v45 =	vor.u32 v0, v21;
	v20 =	vld.idx.msk [tilespmem:v20+s25+$0x0], $0xffff  }
0x110: {  	v46 =	vor.u32 s3, v1;
	_ =	sdelay $0x3  }
0x111: {  	[tilespmem:v45+s16+$0x0] =	vst.idx.msk $0xffff, v20  }
0x112: {  	v47 =	vor.u32 v1, v21;
	v20 =	vld.idx.msk [tilespmem:v46+s25+$0x0], $0xffff  }
0x113: {  	v48 =	vor.u32 s3, v2;
	_ =	sdelay $0x3  }
0x114: {  	[tilespmem:v47+s16+$0x0] =	vst.idx.msk $0xffff, v20  }
0x115: {  	v49 =	vor.u32 v2, v21;
	v20 =	vld.idx.msk [tilespmem:v48+s25+$0x0], $0xffff  }
0x116: {  	v50 =	vor.u32 s3, v3;
	_ =	sdelay $0x3  }
0x117: {  	[tilespmem:v49+s16+$0x0] =	vst.idx.msk $0xffff, v20  }
0x118: {  	v21 =	vor.u32 v3, v21;
	v20 =	vld.idx.msk [tilespmem:v50+s25+$0x0], $0xffff;
	_ =	sdelay $0x4  }
0x119: {  	[tilespmem:v21+s16+$0x0] =	vst.idx.msk $0xffff, v20  }
0x11a: {  	v20 =	vld [tilespmem:s8+$0x2];
	_ =	sdelay $0x4  }
0x11b: {  	(v2sf) =	vpush v20, $0x0;
	_ =	sdelay $0xe  }
0x11c: {  	s3 =	spop (v2sf)  }
0x11d: {  	p0 =	sgt.s32 s3, $0x185FF  }
0x11e: {  	s10 =	sshll.u32 @p0 s3, $0x3  }
0x11f: {  	s10 =	sand.u32 @p0 $0xFFFFFC00, s10  }
0x120: {  	s11 =	simm.s32 @p0 $0x400;
	s10 =	sadd.s32 @p0 $0xFFF3D000, s10  }
0x121: {  	s12 =	simm.s32 @p0 $0x800;
	s3 =	sand.u32 @!p0 $0xFFFFF80, s3;
	s10 =	sshrl.u32 @p0 s10, $0x3  }
0x122: {  	s13 =	simm.s32 @p0 $0x4200;
	s3 =	sadd.s32 @!p0 s1, s3;
	s10 =	sadd.s32 @p0 s5, s10  }
0x123: {  	[tilespmem:s13], [sflag:$0x3] =	stream.strided.gather @p0 [hbm4b:s10+s11], $0x2000, s12, s11, $0x38;
	[tilespmem:$0x14200] =	vst v63  }
0x124: {  	s10 =	simm.s32 @!p0 $0x400;
	s11 =	simm.s32 @!p0 $0xC3800;
	s12 =	simm.s32 @!p0 $0x4200  }
0x125: {  	[tilespmem:s12], [sflag:$0x3] =	stream.strided.gather @!p0 [hbm4b:s3+s10], $0x2000, s11, s10, $0x38;
	[tilespmem:$0x14200] =	vst v63  }
0x126: {  	_ =	swait.ge [sflag:s26], $0x2000  }
0x127: {  	[sflag:s26] =	ssyncset.done $0x0  }
0x128: {  	[sflag:s26] =	ssyncadd.s32 $0xFFFFE000  }
0x129: {  	v20 =	vld [tilespmem:s7+$0xFFFFFFFE];
	_ =	sdelay $0x4  }
0x12a: {  	(v2sf) =	vpush v20, $0x0;
	_ =	sdelay $0xe  }
0x12b: {  	s11 =	spop (v2sf)  }
0x12c: {  	s3 =	sand.u32 $0x7F, s11  }
0x12d: {  	v20 =	vor.u32 s3, v0;
	_ =	sdelay $0x4  }
0x12e: {  	v20 =	vld.idx.msk [tilespmem:v20+s28+$0x0], $0xffff  }
0x12f: {  	v51 =	vor.u32 s3, v1;
	_ =	sdelay $0x3  }
0x130: {  	[tilespmem:v45+s19+$0x0] =	vst.idx.msk $0xffff, v20  }
0x131: {  	v20 =	vld.idx.msk [tilespmem:v51+s28+$0x0], $0xffff  }
0x132: {  	v52 =	vor.u32 s3, v2;
	_ =	sdelay $0x3  }
0x133: {  	[tilespmem:v47+s19+$0x0] =	vst.idx.msk $0xffff, v20  }
0x134: {  	v20 =	vld.idx.msk [tilespmem:v52+s28+$0x0], $0xffff  }
0x135: {  	v53 =	vor.u32 s3, v3;
	_ =	sdelay $0x3  }
0x136: {  	[tilespmem:v49+s19+$0x0] =	vst.idx.msk $0xffff, v20  }
0x137: {  	v20 =	vld.idx.msk [tilespmem:v53+s28+$0x0], $0xffff;
	_ =	sdelay $0x4  }
0x138: {  	[tilespmem:v21+s19+$0x0] =	vst.idx.msk $0xffff, v20  }
0x139: {  	v20 =	vld [tilespmem:s7+$0x2];
	_ =	sdelay $0x4  }
0x13a: {  	(v2sf) =	vpush v20, $0x0;
	_ =	sdelay $0xe  }
0x13b: {  	s3 =	spop (v2sf)  }
0x13c: {  	p0 =	sgt.s32 s3, $0xF417F  }
0x13d: {  	s10 =	sshll.u32 @p0 s3, $0x3  }
0x13e: {  	s10 =	sand.u32 @p0 $0xFFFFFC00, s10  }
0x13f: {  	s11 =	simm.s32 @p0 $0x400;
	s10 =	sadd.s32 @p0 $0xFF85F400, s10  }
0x140: {  	s12 =	simm.s32 @p0 $0x800;
	s3 =	sand.u32 @!p0 $0xFFFFF80, s3;
	s10 =	sshrl.u32 @p0 s10, $0x3  }
0x141: {  	s13 =	simm.s32 @p0 $0xC200;
	s3 =	sadd.s32 @!p0 s2, s3;
	s10 =	sadd.s32 @p0 s6, s10  }
0x142: {  	[tilespmem:s13], [sflag:$0x7] =	stream.strided.gather @p0 [hbm4b:s10+s11], $0x2000, s12, s11, $0x38;
	[tilespmem:$0x14200] =	vst v63  }
0x143: {  	s10 =	simm.s32 @!p0 $0x400;
	s11 =	simm.s32 @!p0 $0x7A1400;
	s12 =	simm.s32 @!p0 $0xC200  }
0x144: {  	[tilespmem:s12], [sflag:$0x7] =	stream.strided.gather @!p0 [hbm4b:s3+s10], $0x2000, s11, s10, $0x38;
	[tilespmem:$0x14200] =	vst v63  }
0x145: {  	_ =	swait.ge [sflag:s29], $0x2000  }
0x146: {  	[sflag:s29] =	ssyncset.done $0x0  }
0x147: {  	[sflag:s29] =	ssyncadd.s32 $0xFFFFE000  }
0x148: {  	v20 =	vld [tilespmem:s8+$0xFFFFFFFF];
	_ =	sdelay $0x4  }
0x149: {  	(v2sf) =	vpush v20, $0x0;
	_ =	sdelay $0xe  }
0x14a: {  	s12 =	spop (v2sf)  }
0x14b: {  	s3 =	sand.u32 $0x7F, s12  }
0x14c: {  	v20 =	vor.u32 s3, v0  }
0x14d: {  	v54 =	vmov s9  }
0x14e: {  	v21 =	vand.u32 $0x7F, v54  }
0x14f: {  	v21 =	vbroadcast v21, $0x0;
	_ =	sdelay $0x1  }
0x150: {  	v55 =	vor.u32 v0, v21;
	v20 =	vld.idx.msk [tilespmem:v20+s30+$0x0], $0xffff  }
0x151: {  	v56 =	vor.u32 s3, v1;
	_ =	sdelay $0x3  }
0x152: {  	[tilespmem:v55+s16+$0x0] =	vst.idx.msk $0xffff, v20  }
0x153: {  	v57 =	vor.u32 v1, v21;
	v20 =	vld.idx.msk [tilespmem:v56+s30+$0x0], $0xffff  }
0x154: {  	v58 =	vor.u32 s3, v2;
	_ =	sdelay $0x3  }
0x155: {  	[tilespmem:v57+s16+$0x0] =	vst.idx.msk $0xffff, v20  }
0x156: {  	v59 =	vor.u32 v2, v21;
	v20 =	vld.idx.msk [tilespmem:v58+s30+$0x0], $0xffff  }
0x157: {  	v60 =	vor.u32 s3, v3;
	_ =	sdelay $0x3  }
0x158: {  	[tilespmem:v59+s16+$0x0] =	vst.idx.msk $0xffff, v20  }
0x159: {  	v21 =	vor.u32 v3, v21;
	v20 =	vld.idx.msk [tilespmem:v60+s30+$0x0], $0xffff;
	_ =	sdelay $0x4  }
0x15a: {  	[tilespmem:v21+s16+$0x0] =	vst.idx.msk $0xffff, v20  }
0x15b: {  	v20 =	vld [tilespmem:s8+$0x3];
	_ =	sdelay $0x4  }
0x15c: {  	(v2sf) =	vpush v20, $0x0;
	_ =	sdelay $0xe  }
0x15d: {  	s3 =	spop (v2sf)  }
0x15e: {  	p0 =	sgt.s32 s3, $0x185FF  }
0x15f: {  	s10 =	sshll.u32 @p0 s3, $0x3  }
0x160: {  	s10 =	sand.u32 @p0 $0xFFFFFC00, s10  }
0x161: {  	s11 =	simm.s32 @p0 $0x400;
	s10 =	sadd.s32 @p0 $0xFFF3D000, s10  }
0x162: {  	s12 =	simm.s32 @p0 $0x800;
	s3 =	sand.u32 @!p0 $0xFFFFF80, s3;
	s10 =	sshrl.u32 @p0 s10, $0x3  }
0x163: {  	s13 =	simm.s32 @p0 $0x6200;
	s3 =	sadd.s32 @!p0 s1, s3;
	s10 =	sadd.s32 @p0 s5, s10  }
0x164: {  	[tilespmem:s13], [sflag:$0x4] =	stream.strided.gather @p0 [hbm4b:s10+s11], $0x2000, s12, s11, $0x38;
	[tilespmem:$0x14200] =	vst v63  }
0x165: {  	s10 =	simm.s32 @!p0 $0x400;
	s11 =	simm.s32 @!p0 $0xC3800;
	s12 =	simm.s32 @!p0 $0x6200  }
0x166: {  	[tilespmem:s12], [sflag:$0x4] =	stream.strided.gather @!p0 [hbm4b:s3+s10], $0x2000, s11, s10, $0x38;
	[tilespmem:$0x14200] =	vst v63  }
0x167: {  	_ =	swait.ge [sflag:s31], $0x2000  }
0x168: {  	[sflag:s31] =	ssyncset.done $0x0  }
0x169: {  	[sflag:s31] =	ssyncadd.s32 $0xFFFFE000  }
0x16a: {  	v20 =	vld [tilespmem:s7+$0xFFFFFFFF];
	_ =	sdelay $0x4  }
0x16b: {  	(v2sf) =	vpush v20, $0x0;
	_ =	sdelay $0xe  }
0x16c: {  	s13 =	spop (v2sf)  }
0x16d: {  	s3 =	sand.u32 $0x7F, s13  }
0x16e: {  	v20 =	vor.u32 s3, v0;
	_ =	sdelay $0x4  }
0x16f: {  	v20 =	vld.idx.msk [tilespmem:v20+s0+$0x0], $0xffff  }
0x170: {  	v61 =	vor.u32 s3, v1;
	_ =	sdelay $0x3  }
0x171: {  	[tilespmem:v55+s19+$0x0] =	vst.idx.msk $0xffff, v20  }
0x172: {  	v20 =	vld.idx.msk [tilespmem:v61+s0+$0x0], $0xffff  }
0x173: {  	v62 =	vor.u32 s3, v2;
	_ =	sdelay $0x3  }
0x174: {  	[tilespmem:v57+s19+$0x0] =	vst.idx.msk $0xffff, v20  }
0x175: {  	v20 =	vld.idx.msk [tilespmem:v62+s0+$0x0], $0xffff  }
0x176: {  	v63 =	vor.u32 s3, v3;
	_ =	sdelay $0x3  }
0x177: {  	[tilespmem:v59+s19+$0x0] =	vst.idx.msk $0xffff, v20  }
0x178: {  	v20 =	vld.idx.msk [tilespmem:v63+s0+$0x0], $0xffff;
	_ =	sdelay $0x4  }
0x179: {  	[tilespmem:v21+s19+$0x0] =	vst.idx.msk $0xffff, v20  }
0x17a: {  	v20 =	vld [tilespmem:s7+$0x3];
	_ =	sdelay $0x4  }
0x17b: {  	(v2sf) =	vpush v20, $0x0;
	_ =	sdelay $0xe  }
0x17c: {  	s3 =	spop (v2sf)  }
0x17d: {  	p0 =	sgt.s32 s3, $0xF417F  }
0x17e: {  	s10 =	sshll.u32 @p0 s3, $0x3  }
0x17f: {  	s10 =	sand.u32 @p0 $0xFFFFFC00, s10  }
0x180: {  	s9 =	sadd.s32 $0x4, s9;
	s11 =	simm.s32 @p0 $0x400;
	s10 =	sadd.s32 @p0 $0xFF85F400, s10  }
0x181: {  	s12 =	simm.s32 @p0 $0x800;
	s3 =	sand.u32 @!p0 $0xFFFFF80, s3;
	s10 =	sshrl.u32 @p0 s10, $0x3  }
0x182: {  	s13 =	simm.s32 @p0 $0xE200;
	s3 =	sadd.s32 @!p0 s2, s3;
	s10 =	sadd.s32 @p0 s6, s10  }
0x183: {  	[tilespmem:s13], [sflag:$0x8] =	stream.strided.gather @p0 [hbm4b:s10+s11], $0x2000, s12, s11, $0x38;
	[tilespmem:$0x14200] =	vst v63  }
0x184: {  	s10 =	simm.s32 @!p0 $0x400;
	s11 =	simm.s32 @!p0 $0x7A1400;
	s12 =	simm.s32 @!p0 $0xE200  }
0x185: {  	[tilespmem:s12], [sflag:$0x8] =	stream.strided.gather @!p0 [hbm4b:s3+s10], $0x2000, s11, s10, $0x38;
	[tilespmem:$0x14200] =	vst v63  }
0x186: {  	p0 =	sne.s32 s9, $0x7F  }
.Ltmp0:
0x187: {  	_ = 	snop;
	(pc) =	sbr.rel @p0 .LBB2_2-.Ltmp0, $2  }
0x188: {  	_ =	sdelay $0x2  }
0x189: {  	s8 =	sadd.s32 $0x4, s8;
	s7 =	sadd.s32 $0x4, s7  }
0x18a: {  	_ =	swait.ge [sflag:s14], $0x2000  }
0x18b: {  	[sflag:s14] =	ssyncset.done $0x0  }
0x18c: {  	[sflag:s14] =	ssyncadd.s32 $0xFFFFE000  }
0x18d: {  	v20 =	vld [tilespmem:$0x7C];
	_ =	sdelay $0x4  }
0x18e: {  	(v2sf) =	vpush v20, $0x0;
	_ =	sdelay $0xe  }
0x18f: {  	s3 =	spop (v2sf)  }
0x190: {  	s3 =	sand.u32 $0x7F, s3  }
0x191: {  	v20 =	vor.u32 s3, v0;
	_ =	sdelay $0x4  }
0x192: {  	v20 =	vld.idx.msk [tilespmem:v20+s15+$0x0], $0xffff  }
0x193: {  	v21 =	vor.u32 s3, v1;
	_ =	sdelay $0x3  }
0x194: {  	[tilespmem:v4+s16+$0x0] =	vst.idx.msk $0xffff, v20  }
0x195: {  	v20 =	vld.idx.msk [tilespmem:v21+s15+$0x0], $0xffff  }
0x196: {  	v41 =	vor.u32 s3, v2;
	_ =	sdelay $0x3  }
0x197: {  	[tilespmem:v5+s16+$0x0] =	vst.idx.msk $0xffff, v20  }
0x198: {  	v20 =	vld.idx.msk [tilespmem:v41+s15+$0x0], $0xffff  }
0x199: {  	v42 =	vor.u32 s3, v3;
	_ =	sdelay $0x3  }
0x19a: {  	[tilespmem:v6+s16+$0x0] =	vst.idx.msk $0xffff, v20  }
0x19b: {  	v20 =	vld.idx.msk [tilespmem:v42+s15+$0x0], $0xffff;
	_ =	sdelay $0x4  }
0x19c: {  	[tilespmem:v7+s16+$0x0] =	vst.idx.msk $0xffff, v20  }
0x19d: {  	_ =	swait.ge [sflag:s17], $0x2000  }
0x19e: {  	[sflag:s17] =	ssyncset.done $0x0  }
0x19f: {  	[sflag:s17] =	ssyncadd.s32 $0xFFFFE000  }
0x1a0: {  	v20 =	vld [tilespmem:$0x17C];
	_ =	sdelay $0x4  }
0x1a1: {  	(v2sf) =	vpush v20, $0x0;
	_ =	sdelay $0xe  }
0x1a2: {  	s11 =	spop (v2sf)  }
0x1a3: {  	s3 =	sand.u32 $0x7F, s11  }
0x1a4: {  	v20 =	vor.u32 s3, v0;
	_ =	sdelay $0x4  }
0x1a5: {  	v20 =	vld.idx.msk [tilespmem:v20+s18+$0x0], $0xffff  }
0x1a6: {  	v43 =	vor.u32 s3, v1;
	_ =	sdelay $0x3  }
0x1a7: {  	[tilespmem:v4+s19+$0x0] =	vst.idx.msk $0xffff, v20  }
0x1a8: {  	v20 =	vld.idx.msk [tilespmem:v43+s18+$0x0], $0xffff  }
0x1a9: {  	v44 =	vor.u32 s3, v2;
	_ =	sdelay $0x3  }
0x1aa: {  	[tilespmem:v5+s19+$0x0] =	vst.idx.msk $0xffff, v20  }
0x1ab: {  	v20 =	vld.idx.msk [tilespmem:v44+s18+$0x0], $0xffff  }
0x1ac: {  	v45 =	vor.u32 s3, v3;
	_ =	sdelay $0x3  }
0x1ad: {  	[tilespmem:v6+s19+$0x0] =	vst.idx.msk $0xffff, v20  }
0x1ae: {  	v20 =	vld.idx.msk [tilespmem:v45+s18+$0x0], $0xffff;
	_ =	sdelay $0x4  }
0x1af: {  	[tilespmem:v7+s19+$0x0] =	vst.idx.msk $0xffff, v20  }
0x1b0: {  	_ =	swait.ge [sflag:s20], $0x2000  }
0x1b1: {  	[sflag:s20] =	ssyncset.done $0x0  }
0x1b2: {  	[sflag:s20] =	ssyncadd.s32 $0xFFFFE000  }
0x1b3: {  	v20 =	vld [tilespmem:$0x7D];
	_ =	sdelay $0x4  }
0x1b4: {  	(v2sf) =	vpush v20, $0x0;
	_ =	sdelay $0xe  }
0x1b5: {  	s12 =	spop (v2sf)  }
0x1b6: {  	s3 =	sand.u32 $0x7F, s12  }
0x1b7: {  	v20 =	vor.u32 s3, v0;
	_ =	sdelay $0x4  }
0x1b8: {  	v20 =	vld.idx.msk [tilespmem:v20+s21+$0x0], $0xffff  }
0x1b9: {  	v46 =	vor.u32 s3, v1;
	_ =	sdelay $0x3  }
0x1ba: {  	[tilespmem:v8+s16+$0x0] =	vst.idx.msk $0xffff, v20  }
0x1bb: {  	v20 =	vld.idx.msk [tilespmem:v46+s21+$0x0], $0xffff  }
0x1bc: {  	v47 =	vor.u32 s3, v2;
	_ =	sdelay $0x3  }
0x1bd: {  	[tilespmem:v9+s16+$0x0] =	vst.idx.msk $0xffff, v20  }
0x1be: {  	v20 =	vld.idx.msk [tilespmem:v47+s21+$0x0], $0xffff  }
0x1bf: {  	v48 =	vor.u32 s3, v3;
	_ =	sdelay $0x3  }
0x1c0: {  	[tilespmem:v10+s16+$0x0] =	vst.idx.msk $0xffff, v20  }
0x1c1: {  	v20 =	vld.idx.msk [tilespmem:v48+s21+$0x0], $0xffff;
	_ =	sdelay $0x4  }
0x1c2: {  	[tilespmem:v11+s16+$0x0] =	vst.idx.msk $0xffff, v20  }
0x1c3: {  	_ =	swait.ge [sflag:s22], $0x2000  }
0x1c4: {  	[sflag:s22] =	ssyncset.done $0x0  }
0x1c5: {  	[sflag:s22] =	ssyncadd.s32 $0xFFFFE000  }
0x1c6: {  	v20 =	vld [tilespmem:$0x17D];
	_ =	sdelay $0x4  }
0x1c7: {  	(v2sf) =	vpush v20, $0x0;
	_ =	sdelay $0xe  }
0x1c8: {  	s13 =	spop (v2sf)  }
0x1c9: {  	s3 =	sand.u32 $0x7F, s13  }
0x1ca: {  	v20 =	vor.u32 s3, v0;
	_ =	sdelay $0x4  }
0x1cb: {  	v20 =	vld.idx.msk [tilespmem:v20+s23+$0x0], $0xffff  }
0x1cc: {  	v49 =	vor.u32 s3, v1;
	_ =	sdelay $0x3  }
0x1cd: {  	[tilespmem:v8+s19+$0x0] =	vst.idx.msk $0xffff, v20  }
0x1ce: {  	v20 =	vld.idx.msk [tilespmem:v49+s23+$0x0], $0xffff  }
0x1cf: {  	v50 =	vor.u32 s3, v2;
	_ =	sdelay $0x3  }
0x1d0: {  	[tilespmem:v9+s19+$0x0] =	vst.idx.msk $0xffff, v20  }
0x1d1: {  	v20 =	vld.idx.msk [tilespmem:v50+s23+$0x0], $0xffff  }
0x1d2: {  	v51 =	vor.u32 s3, v3;
	_ =	sdelay $0x3  }
0x1d3: {  	[tilespmem:v10+s19+$0x0] =	vst.idx.msk $0xffff, v20  }
0x1d4: {  	v20 =	vld.idx.msk [tilespmem:v51+s23+$0x0], $0xffff;
	_ =	sdelay $0x4  }
0x1d5: {  	[tilespmem:v11+s19+$0x0] =	vst.idx.msk $0xffff, v20  }
0x1d6: {  	_ =	swait.ge [sflag:s24], $0x2000  }
0x1d7: {  	[sflag:s24] =	ssyncset.done $0x0  }
0x1d8: {  	[sflag:s24] =	ssyncadd.s32 $0xFFFFE000  }
0x1d9: {  	v20 =	vld [tilespmem:$0x7E];
	_ =	sdelay $0x4  }
0x1da: {  	(v2sf) =	vpush v20, $0x0;
	_ =	sdelay $0xe  }
0x1db: {  	s7 =	spop (v2sf)  }
0x1dc: {  	s3 =	sand.u32 $0x7F, s7  }
0x1dd: {  	v20 =	vor.u32 s3, v0;
	_ =	sdelay $0x4  }
0x1de: {  	v20 =	vld.idx.msk [tilespmem:v20+s25+$0x0], $0xffff  }
0x1df: {  	v52 =	vor.u32 s3, v1;
	_ =	sdelay $0x3  }
0x1e0: {  	[tilespmem:v12+s16+$0x0] =	vst.idx.msk $0xffff, v20  }
0x1e1: {  	v20 =	vld.idx.msk [tilespmem:v52+s25+$0x0], $0xffff  }
0x1e2: {  	v53 =	vor.u32 s3, v2;
	_ =	sdelay $0x3  }
0x1e3: {  	[tilespmem:v13+s16+$0x0] =	vst.idx.msk $0xffff, v20  }
0x1e4: {  	v20 =	vld.idx.msk [tilespmem:v53+s25+$0x0], $0xffff  }
0x1e5: {  	v54 =	vor.u32 s3, v3;
	_ =	sdelay $0x3  }
0x1e6: {  	[tilespmem:v14+s16+$0x0] =	vst.idx.msk $0xffff, v20  }
0x1e7: {  	v20 =	vld.idx.msk [tilespmem:v54+s25+$0x0], $0xffff;
	_ =	sdelay $0x4  }
0x1e8: {  	[tilespmem:v15+s16+$0x0] =	vst.idx.msk $0xffff, v20  }
0x1e9: {  	_ =	swait.ge [sflag:s26], $0x2000  }
0x1ea: {  	[sflag:s26] =	ssyncset.done $0x0  }
0x1eb: {  	[sflag:s26] =	ssyncadd.s32 $0xFFFFE000  }
0x1ec: {  	v20 =	vld [tilespmem:$0x17E];
	_ =	sdelay $0x4  }
0x1ed: {  	(v2sf) =	vpush v20, $0x0;
	_ =	sdelay $0xe  }
0x1ee: {  	s8 =	spop (v2sf)  }
0x1ef: {  	s3 =	sand.u32 $0x7F, s8  }
0x1f0: {  	v20 =	vor.u32 s3, v0;
	_ =	sdelay $0x4  }
0x1f1: {  	v20 =	vld.idx.msk [tilespmem:v20+s28+$0x0], $0xffff  }
0x1f2: {  	v55 =	vor.u32 s3, v1;
	_ =	sdelay $0x3  }
0x1f3: {  	[tilespmem:v12+s19+$0x0] =	vst.idx.msk $0xffff, v20  }
0x1f4: {  	v20 =	vld.idx.msk [tilespmem:v55+s28+$0x0], $0xffff  }
0x1f5: {  	v56 =	vor.u32 s3, v2;
	_ =	sdelay $0x3  }
0x1f6: {  	[tilespmem:v13+s19+$0x0] =	vst.idx.msk $0xffff, v20  }
0x1f7: {  	v20 =	vld.idx.msk [tilespmem:v56+s28+$0x0], $0xffff  }
0x1f8: {  	v57 =	vor.u32 s3, v3;
	_ =	sdelay $0x3  }
0x1f9: {  	[tilespmem:v14+s19+$0x0] =	vst.idx.msk $0xffff, v20  }
0x1fa: {  	v20 =	vld.idx.msk [tilespmem:v57+s28+$0x0], $0xffff;
	_ =	sdelay $0x4  }
0x1fb: {  	[tilespmem:v15+s19+$0x0] =	vst.idx.msk $0xffff, v20  }
0x1fc: {  	_ =	swait.ge [sflag:s29], $0x2000  }
0x1fd: {  	[sflag:s29] =	ssyncset.done $0x0  }
0x1fe: {  	[sflag:s29] =	ssyncadd.s32 $0xFFFFE000  }
0x1ff: {  	v20 =	vld [tilespmem:$0x7F];
	_ =	sdelay $0x4  }
0x200: {  	(v2sf) =	vpush v20, $0x0;
	_ =	sdelay $0xe  }
0x201: {  	s9 =	spop (v2sf)  }
0x202: {  	s3 =	sand.u32 $0x7F, s9  }
0x203: {  	v20 =	vor.u32 s3, v0;
	_ =	sdelay $0x4  }
0x204: {  	v20 =	vld.idx.msk [tilespmem:v20+s30+$0x0], $0xffff  }
0x205: {  	v58 =	vor.u32 s3, v1;
	_ =	sdelay $0x3  }
0x206: {  	[tilespmem:v16+s16+$0x0] =	vst.idx.msk $0xffff, v20  }
0x207: {  	v20 =	vld.idx.msk [tilespmem:v58+s30+$0x0], $0xffff  }
0x208: {  	v59 =	vor.u32 s3, v2;
	_ =	sdelay $0x3  }
0x209: {  	[tilespmem:v17+s16+$0x0] =	vst.idx.msk $0xffff, v20  }
0x20a: {  	v20 =	vld.idx.msk [tilespmem:v59+s30+$0x0], $0xffff  }
0x20b: {  	v60 =	vor.u32 s3, v3;
	_ =	sdelay $0x3  }
0x20c: {  	[tilespmem:v18+s16+$0x0] =	vst.idx.msk $0xffff, v20  }
0x20d: {  	v20 =	vld.idx.msk [tilespmem:v60+s30+$0x0], $0xffff;
	_ =	sdelay $0x4  }
0x20e: {  	[tilespmem:v19+s16+$0x0] =	vst.idx.msk $0xffff, v20  }
0x20f: {  	_ =	swait.ge [sflag:s31], $0x2000  }
0x210: {  	[sflag:s31] =	ssyncset.done $0x0  }
0x211: {  	[sflag:s31] =	ssyncadd.s32 $0xFFFFE000  }
0x212: {  	v20 =	vld [tilespmem:$0x17F];
	_ =	sdelay $0x4  }
0x213: {  	(v2sf) =	vpush v20, $0x0;
	_ =	sdelay $0xe  }
0x214: {  	s10 =	spop (v2sf)  }
0x215: {  	s3 =	sand.u32 $0x7F, s10  }
0x216: {  	v20 =	vor.u32 s3, v0;
	_ =	sdelay $0x4  }
0x217: {  	v20 =	vld.idx.msk [tilespmem:v20+s0+$0x0], $0xffff  }
0x218: {  	v61 =	vor.u32 s3, v1;
	_ =	sdelay $0x3  }
0x219: {  	[tilespmem:v16+s19+$0x0] =	vst.idx.msk $0xffff, v20  }
0x21a: {  	v20 =	vld.idx.msk [tilespmem:v61+s0+$0x0], $0xffff  }
0x21b: {  	v62 =	vor.u32 s3, v2;
	_ =	sdelay $0x3  }
0x21c: {  	[tilespmem:v17+s19+$0x0] =	vst.idx.msk $0xffff, v20  }
0x21d: {  	v20 =	vld.idx.msk [tilespmem:v62+s0+$0x0], $0xffff  }
0x21e: {  	v63 =	vor.u32 s3, v3;
	_ =	sdelay $0x3  }
0x21f: {  	[tilespmem:v18+s19+$0x0] =	vst.idx.msk $0xffff, v20  }
0x220: {  	v20 =	vld.idx.msk [tilespmem:v63+s0+$0x0], $0xffff;
	_ =	sdelay $0x3  }
0x221: {  	s7 =	simm.s32 $0x400  }
0x222: {  	s8 =	simm.s32 $0x9;
	s9 =	simm.s32 $0x8000;
	s11 =	rddreg [dreg:$0xa];
	[tilespmem:v19+s19+$0x0] =	vst.idx.msk $0xffff, v20  }
0x223: {  	[hbm4b:s11+s7] =	stream.strided.scatter [tilespmem:s16], [sflag:$0x9], $0x2000, s9, s7, $0x38;
	[tilespmem:$0x14200] =	vst v63  }
0x224: {  	_ =	swait.ge [sflag:s8], $0x2000  }
0x225: {  	[sflag:s8] =	ssyncset.done $0x0  }
0x226: {  	s12 =	rddreg [dreg:$0xb];
	[sflag:s8] =	ssyncadd.s32 $0xFFFFE000  }
0x227: {  	[hbm4b:s12+s7] =	stream.strided.scatter [tilespmem:s19], [sflag:$0x9], $0x2000, s9, s7, $0x38;
	[tilespmem:$0x14200] =	vst v63  }
0x228: {  	_ =	swait.ge [sflag:s8], $0x2000  }
0x229: {  	s4 =	sadd.s32 $0x1, s4;
	s13 =	rddreg [dreg:$0xc]  }
0x22a: {  	p0 =	sne.s32 s4, s13  }
.Ltmp1:
0x22b: {  	_ = 	snop;
	(pc) =	sbr.rel @p0 .LBB2_1-.Ltmp1, $3  }
0x22c: {  	_ =	sdelay $0x1  }
0x22d: {  	[sflag:s8] =	ssyncset.done $0x0  }
0x22e: {  	[sflag:s8] =	ssyncadd.s32 $0xFFFFE000  }
0x22f: {  	_ =	sfence.sel $0x180000  }
0x230: {  	[bflag:$0x0] =	sbarrier.arrive $0xFFFF  }
0x231: {  	_ =	strace $0x90000047  }
0x232: {  	s0 =	stileid.u32;
	[bflag:$0x2] =	sbarrier.arrive $0xFFFF  }
0x233: {  	p0 =	sne.s32 s0, $0x0;
	s0 =	rddreg [dreg:$0x7]  }
0x234: {  	s0 =	sadd.s32 @!p0 $0x100000, s0  }
0x235: {  	[sflag:s0] =	ssyncadd.tile.s32 @!p0 $0x1;
	_ =	shalt  }
.Lfunc_end2:
_tile_overlayer_lowered:
.L_overlay_start_2:
0x236: {  	(tag) =	ssettag $0x2  }
0x237: {  	s0 =	rddreg [dreg:$0x0];
	s2 =	stileid.u32  }
0x238: {  	s1 =	rddreg [dreg:$0x1];
	p0 =	sne.s32 s2, $0x0  }
0x239: {  	s3 =	rddreg [dreg:$0x2];
	[bflag:$0x3] =	sbarrier.arrive $0xFFFF;
	s2 =	simm.s32 @!p0 $0x1C09  }
0x23a: {  	[timem:s3], [sflag:s2] =	dma.local @!p0 [hbm:s0], s1  }
0x23b: {  	s0 =	simm.s32 @!p0 $0x9  }
0x23c: {  	_ =	swait.ge @!p0 [sflag:s0], s1  }
0x23d: {  	s1 =	ssub.s32 @!p0 $0x0, s1;
	[sflag:s0] =	ssyncset.done @!p0 $0x0  }
0x23e: {  	[sflag:s0] =	ssyncadd.s32 @!p0 s1  }
0x23f: {  	[bflag:$0x3] =	sbarrier.arrive $0xFFFF  }
0x240: {  	_ =	shalt  }

</sc_bundles>
